<compile_context>
chip_gen: v7x
topology: tpu7x:2x2x1
jax: 0.10.2.dev20260603
libtpu: 0.0.44.dev20260713+nightly
codegen_flags: <defaults>
</compile_context>

<pallas_src>
import functools

import jax
import jax.numpy as jnp
from jax import lax
from jax.experimental import pallas as pl
from jax.experimental.pallas import tpu as pltpu
from jax.experimental.pallas import tpu_sc as plsc

POS_LENGTH = 8
PI = 3.141592653589793

_ROWS_PER_W = 13312
_SLICES = _ROWS_PER_W // 128
_FIRE = 13


def _sc_gather_body(tbl_hbm, gidx_hbm, ox_hbm, oy_hbm,
                    idx_v, idy_v, vx, vy, sem):
    wid = lax.axis_index("s") * 2 + lax.axis_index("c")
    base = wid * _ROWS_PER_W
    pltpu.sync_copy(gidx_hbm.at[0].at[pl.ds(wid * _SLICES, _SLICES)], idx_v)
    pltpu.sync_copy(gidx_hbm.at[1].at[pl.ds(wid * _SLICES, _SLICES)], idy_v)

    def grp(g):
        cps = []
        for j in range(_FIRE):
            i = g * _FIRE + j
            cps.append(pltpu.async_copy(
                tbl_hbm.at[idx_v.at[i]], vx.at[pl.ds(i * 128, 128)], sem))
            cps.append(pltpu.async_copy(
                tbl_hbm.at[idy_v.at[i]], vy.at[pl.ds(i * 128, 128)], sem))
        for cp in cps:
            cp.wait()

    pl.loop(0, _SLICES // _FIRE)(grp)
    pltpu.sync_copy(vx, ox_hbm.at[pl.ds(base, _ROWS_PER_W)])
    pltpu.sync_copy(vy, oy_hbm.at[pl.ds(base, _ROWS_PER_W)])


def _sc_gather(mesh_1d, gidx2):
    n_pad = gidx2.shape[1] * 128
    mesh = plsc.VectorSubcoreMesh(core_axis_name="c", subcore_axis_name="s")
    k = functools.partial(
        pl.kernel,
        mesh=mesh,
        out_type=[jax.ShapeDtypeStruct((n_pad,), jnp.float32),
                  jax.ShapeDtypeStruct((n_pad,), jnp.float32)],
        scratch_types=[
            pltpu.VMEM((_SLICES, 128), jnp.int32),
            pltpu.VMEM((_SLICES, 128), jnp.int32),
            pltpu.VMEM((_ROWS_PER_W,), jnp.float32),
            pltpu.VMEM((_ROWS_PER_W,), jnp.float32),
            pltpu.SemaphoreType.DMA,
        ],
    )(_sc_gather_body)
    return k(mesh_1d, gidx2)


def _centers_body(mpg_ref, msk_ref, c_ref):
    v = mpg_ref[...]
    m = msk_ref[...]
    lane = lax.broadcasted_iota(jnp.int32, (64, 2), 0)
    col = lax.broadcasted_iota(jnp.int32, (64, 2), 1)
    sel = ((lane % 2) == col).astype(jnp.float32)
    s = jnp.dot(v, sel, preferred_element_type=jnp.float32,
                precision=lax.Precision.HIGHEST)
    den = jnp.sum(m, axis=-1, keepdims=True) + 1e-8
    c_ref[...] = s / den


def _tc_centers(mp_g, cluster_mask):
    B, K, C = cluster_mask.shape
    mpg = mp_g.reshape(B * K, 2 * C)
    msk = cluster_mask.reshape(B * K, C)
    out = pl.pallas_call(
        _centers_body,
        out_shape=jax.ShapeDtypeStruct((B * K, 2), jnp.float32),
    )(mpg, msk)
    return out.reshape(B, K, 2)


def _emb32(p2):
    rows = p2.shape[0]
    x = jnp.broadcast_to(p2[:, 0:1], (rows, 16))
    y = jnp.broadcast_to(p2[:, 1:2], (rows, 16))
    p32 = jnp.concatenate([x, y], axis=-1)
    lane = lax.broadcasted_iota(jnp.int32, (rows, 32), 1)
    freq = (1 << (lane % 8)).astype(jnp.float32) * PI
    phase = jnp.where((lane % 16) >= 8, 0.5 * PI, 0.0)
    return jnp.cos(p32 * freq - phase)


def _pe_body(a_ref, b_ref, o_ref):
    o_ref[...] = _emb32(a_ref[...] - b_ref[...])


def _tc_pe(crep, mp_g_flat):
    n = crep.shape[0]
    rb = 4000
    return pl.pallas_call(
        _pe_body,
        grid=(n // rb,),
        in_specs=[pl.BlockSpec((rb, 2), lambda i: (i, 0)),
                  pl.BlockSpec((rb, 2), lambda i: (i, 0))],
        out_specs=pl.BlockSpec((rb, 32), lambda i: (i, 0)),
        out_shape=jax.ShapeDtypeStruct((n, 32), jnp.float32),
    )(crep, mp_g_flat)


def _out1_body(mesh_ref, rel_ref, o_ref):
    o_ref[...] = jnp.concatenate(
        [_emb32(mesh_ref[...]), rel_ref[...]], axis=-1)


def _tc_out1(mesh_flat, rel_flat):
    n = mesh_flat.shape[0]
    rb = 4000
    return pl.pallas_call(
        _out1_body,
        grid=(n // rb,),
        in_specs=[pl.BlockSpec((rb, 2), lambda i: (i, 0)),
                  pl.BlockSpec((rb, 32), lambda i: (i, 0))],
        out_specs=pl.BlockSpec((rb, 64), lambda i: (i, 0)),
        out_shape=jax.ShapeDtypeStruct((n, 64), jnp.float32),
    )(mesh_flat, rel_flat)


def _out2_body(c_ref, o_ref):
    o_ref[...] = _emb32(c_ref[...])


def _tc_out2(centers_flat):
    n = centers_flat.shape[0]
    return pl.pallas_call(
        _out2_body,
        grid=(1,),
        in_specs=[pl.BlockSpec((n, 2), lambda i: (0, 0))],
        out_specs=pl.BlockSpec((n, 32), lambda i: (0, 0)),
        out_shape=jax.ShapeDtypeStruct((n, 32), jnp.float32),
    )(centers_flat)


def kernel(mesh_pos, clusters, cluster_mask):
    B, N, _ = mesh_pos.shape
    _, K, C = clusters.shape
    idx = clusters.reshape(B, K * C)

    gidx = (idx + (jnp.arange(B, dtype=jnp.int32) * N)[:, None]).reshape(-1)
    n_pad = 32 * _ROWS_PER_W
    gidx_pad = jnp.concatenate(
        [gidx * 2, jnp.zeros((n_pad - gidx.shape[0],), jnp.int32)])
    gidx2 = jnp.stack([gidx_pad, gidx_pad + 1]).reshape(2, 32 * _SLICES, 128)
    mesh_1d = mesh_pos.reshape(2 * B * N)
    gx, gy = _sc_gather(mesh_1d, gidx2)
    mp_g_flat = jnp.stack([gx[:B * N], gy[:B * N]], axis=-1)
    mesh_flat = mesh_pos.reshape(B * N, 2)
    mp_g = mp_g_flat.reshape(B, K * C, 2)

    centers = _tc_centers(mp_g, cluster_mask)

    crep = jnp.repeat(centers, C, axis=1).reshape(B * K * C, 2)
    pe = _tc_pe(crep, mp_g_flat).reshape(B, K * C, 32)

    relative = jax.vmap(lambda base, i, src: base.at[i].set(src))(pe, idx, pe)
    relative = relative[:, :N]

    out1 = _tc_out1(mesh_flat, relative.reshape(B * N, 32)).reshape(B, N, 64)
    out2 = _tc_out2(centers.reshape(B * K, 2)).reshape(B, K, 32)
    return out1, out2

# --- scband reference (transcript-rebuilt; emitter-appended) ---
"""Pipeline reference for scband-positional-encoder-28458453303857 (READ-ONLY COPY).

The authoritative reference and input builder live on the scoring server;
editing this copy changes nothing except your own understanding.
"""

import jax, jax.numpy as jnp
import numpy as np

POS_START = 0
POS_LENGTH = 8


def _embed(pos):
    idx = jnp.arange(POS_START, POS_START + POS_LENGTH).astype(jnp.float32)
    freq = (2.0 ** idx) * jnp.pi
    cos_feat = jnp.cos(freq * pos[..., None])
    sin_feat = jnp.sin(freq * pos[..., None])
    emb = jnp.concatenate([cos_feat, sin_feat], axis=-1)
    return emb.reshape(pos.shape[:-1] + (-1,))


def setup_inputs(seed: int = 0):
    key = jax.random.key(seed)
    k1, k2 = jax.random.split(key)
    B, N, K, C = 4, 100000, 3125, 32
    mesh_pos = jax.random.normal(k1, (B, N, 2), dtype=jnp.float32)
    clusters = jax.random.randint(k2, (B, K, C), 0, N, dtype=jnp.int32)
    cluster_mask = jnp.ones((B, K, C), dtype=jnp.float32)
    return {"mesh_pos": mesh_pos, "clusters": clusters, "cluster_mask": cluster_mask}


def reference(mesh_pos, clusters, cluster_mask):
    B, N, _ = mesh_pos.shape
    _, K, C = clusters.shape
    idx = clusters.reshape(B, -1)
    # gather: meshpos_by_cluster
    meshpos_by_cluster = jax.vmap(lambda mp, i: mp[i])(mesh_pos, idx)  # (B, K*C, 2)
    meshpos_by_cluster = meshpos_by_cluster.reshape(B, K, C, 2)
    clusters_centers = meshpos_by_cluster.sum(axis=-2)
    clusters_centers = clusters_centers / (cluster_mask.sum(axis=-1, keepdims=True) + 1e-08)
    distances_to_cluster = clusters_centers[:, :, None, :] - meshpos_by_cluster
    pos_embeddings = _embed(distances_to_cluster)  # (B, K, C, S)
    S = pos_embeddings.shape[-1]
    pe_flat = pos_embeddings.reshape(B, -1, S)
    # scatter-overwrite: out[b, idx[b,i], :] = pe_flat[b, i, :], base = pe_flat
    relative_positions = jax.vmap(lambda base, i, src: base.at[i].set(src))(pe_flat, idx, pe_flat)
    relative_positions = relative_positions[:, :N]
    nodes_embedding = jnp.concatenate([_embed(mesh_pos), relative_positions], axis=-1)
    return nodes_embedding, _embed(clusters_centers)

if __name__ == "__main__":
    import jax
    _d = setup_inputs()
    print(jax.jit(kernel)(*tuple(_d.values())))

</pallas_src>

<mosaic_0001>
#map = affine_map<(d0, d1) -> (0)>
#map1 = affine_map<(d0, d1) -> (0, 0, 0)>
module attributes {stable_mosaic.version = 14 : i64} {
  func.func @_sc_gather_body(%arg0: i32, %arg1: i32, %arg2: memref<800000xf32, #tpu.memory_space<hbm>>, %arg3: memref<2x3328x128xi32, #tpu.memory_space<hbm>>, %arg4: memref<425984xf32, #tpu.memory_space<hbm>>, %arg5: memref<425984xf32, #tpu.memory_space<hbm>>, %arg6: memref<104x128xi32, #tpu.memory_space<vmem>>, %arg7: memref<104x128xi32, #tpu.memory_space<vmem>>, %arg8: memref<13312xf32, #tpu.memory_space<vmem>>, %arg9: memref<13312xf32, #tpu.memory_space<vmem>>, %arg10: memref<!tpu.dma_semaphore, #tpu.memory_space<semaphore_mem>>) attributes {dimension_semantics = [#tpu.dimension_semantics<core_parallel>, #tpu.dimension_semantics<subcore_parallel>], iteration_bounds = array<i64: 2, 16>, scalar_prefetch = 0 : i64, scratch_operands = 5 : i64, tpu.core_type = #tpu.core_type<sc_vector_subcore>, window_params = [{transform_indices = #map}, {transform_indices = #map1}, {transform_indices = #map}, {transform_indices = #map}]} {
    %mul3A = arith.constant 2 : i32
    %mul3A_0 = arith.muli %arg1, %mul3A : i32
    %add3A = arith.addi %mul3A_0, %arg0 : i32
    %mul3A_1 = arith.constant 13312 : i32
    %mul3A_2 = arith.muli %add3A, %mul3A_1 : i32
    %mul3A_3 = arith.constant 104 : i32
    %mul3A_4 = arith.muli %add3A, %mul3A_3 : i32
    %run_scoped3A = arith.constant 0 : i32
    "tpu.region"() ({
      %run_scoped3A_12 = tpu.sem_alloc : memref<!tpu.dma_semaphore, #tpu.memory_space<semaphore_mem>>
      %dma_start3A = arith.constant 0 : i32
      %dma_start3A_13 = arith.constant 0 : i32
      %dma_start3A_14 = tpu.memref_slice %arg3[%run_scoped3A, %dma_start3A, %dma_start3A_13] : memref<2x3328x128xi32, #tpu.memory_space<hbm>> -> memref<1x3328x128xi32, #tpu.memory_space<hbm>>
      %dma_start3A_15 = tpu.memref_squeeze %dma_start3A_14 : memref<1x3328x128xi32, #tpu.memory_space<hbm>> -> memref<3328x128xi32, #tpu.memory_space<hbm>>
      %dma_start3A_16 = arith.constant 0 : i32
      %dma_start3A_17 = tpu.memref_slice %dma_start3A_15[%mul3A_4, %dma_start3A_16] : memref<3328x128xi32, #tpu.memory_space<hbm>> -> memref<104x128xi32, #tpu.memory_space<hbm>>
      %dma_start3A_18 = arith.constant 0 : i32
      %dma_start3A_19 = arith.constant 0 : i32
      %dma_start3A_20 = tpu.memref_slice %arg3[%run_scoped3A, %dma_start3A_18, %dma_start3A_19] : memref<2x3328x128xi32, #tpu.memory_space<hbm>> -> memref<1x3328x128xi32, #tpu.memory_space<hbm>>
      %dma_start3A_21 = tpu.memref_squeeze %dma_start3A_20 : memref<1x3328x128xi32, #tpu.memory_space<hbm>> -> memref<3328x128xi32, #tpu.memory_space<hbm>>
      %dma_start3A_22 = arith.constant 0 : i32
      %dma_start3A_23 = tpu.memref_slice %dma_start3A_21[%mul3A_4, %dma_start3A_22] : memref<3328x128xi32, #tpu.memory_space<hbm>> -> memref<104x128xi32, #tpu.memory_space<hbm>>
      tpu.enqueue_dma source(%dma_start3A_23 : memref<104x128xi32, #tpu.memory_space<hbm>>) target(%arg6 : memref<104x128xi32, #tpu.memory_space<vmem>>) target_semaphore(%run_scoped3A_12 : memref<!tpu.dma_semaphore, #tpu.memory_space<semaphore_mem>>)
      %dma_wait3A = arith.constant 0 : i32
      %dma_wait3A_24 = arith.constant 0 : i32
      %dma_wait3A_25 = tpu.memref_slice %arg3[%run_scoped3A, %dma_wait3A, %dma_wait3A_24] : memref<2x3328x128xi32, #tpu.memory_space<hbm>> -> memref<1x3328x128xi32, #tpu.memory_space<hbm>>
      %dma_wait3A_26 = tpu.memref_squeeze %dma_wait3A_25 : memref<1x3328x128xi32, #tpu.memory_space<hbm>> -> memref<3328x128xi32, #tpu.memory_space<hbm>>
      %dma_wait3A_27 = arith.constant 0 : i32
      %dma_wait3A_28 = tpu.memref_slice %dma_wait3A_26[%mul3A_4, %dma_wait3A_27] : memref<3328x128xi32, #tpu.memory_space<hbm>> -> memref<104x128xi32, #tpu.memory_space<hbm>>
      %dma_wait3A_29 = arith.constant 0 : i32
      %dma_wait3A_30 = arith.constant 0 : i32
      %dma_wait3A_31 = tpu.memref_slice %arg3[%run_scoped3A, %dma_wait3A_29, %dma_wait3A_30] : memref<2x3328x128xi32, #tpu.memory_space<hbm>> -> memref<1x3328x128xi32, #tpu.memory_space<hbm>>
      %dma_wait3A_32 = tpu.memref_squeeze %dma_wait3A_31 : memref<1x3328x128xi32, #tpu.memory_space<hbm>> -> memref<3328x128xi32, #tpu.memory_space<hbm>>
      %dma_wait3A_33 = arith.constant 0 : i32
      %dma_wait3A_34 = tpu.memref_slice %dma_wait3A_32[%mul3A_4, %dma_wait3A_33] : memref<3328x128xi32, #tpu.memory_space<hbm>> -> memref<104x128xi32, #tpu.memory_space<hbm>>
      tpu.wait_dma2 semaphore(%run_scoped3A_12 : memref<!tpu.dma_semaphore, #tpu.memory_space<semaphore_mem>>) src(%dma_wait3A_34 : memref<104x128xi32, #tpu.memory_space<hbm>>) dst(%arg6 : memref<104x128xi32, #tpu.memory_space<vmem>>)
      tpu.yield
    }) : () -> ()
    %mul3A_5 = arith.constant 104 : i32
    %mul3A_6 = arith.muli %add3A, %mul3A_5 : i32
    %run_scoped3A_7 = arith.constant 1 : i32
    "tpu.region"() ({
      %run_scoped3A_12 = tpu.sem_alloc : memref<!tpu.dma_semaphore, #tpu.memory_space<semaphore_mem>>
      %dma_start3A = arith.constant 0 : i32
      %dma_start3A_13 = arith.constant 0 : i32
      %dma_start3A_14 = tpu.memref_slice %arg3[%run_scoped3A_7, %dma_start3A, %dma_start3A_13] : memref<2x3328x128xi32, #tpu.memory_space<hbm>> -> memref<1x3328x128xi32, #tpu.memory_space<hbm>>
      %dma_start3A_15 = tpu.memref_squeeze %dma_start3A_14 : memref<1x3328x128xi32, #tpu.memory_space<hbm>> -> memref<3328x128xi32, #tpu.memory_space<hbm>>
      %dma_start3A_16 = arith.constant 0 : i32
      %dma_start3A_17 = tpu.memref_slice %dma_start3A_15[%mul3A_6, %dma_start3A_16] : memref<3328x128xi32, #tpu.memory_space<hbm>> -> memref<104x128xi32, #tpu.memory_space<hbm>>
      %dma_start3A_18 = arith.constant 0 : i32
      %dma_start3A_19 = arith.constant 0 : i32
      %dma_start3A_20 = tpu.memref_slice %arg3[%run_scoped3A_7, %dma_start3A_18, %dma_start3A_19] : memref<2x3328x128xi32, #tpu.memory_space<hbm>> -> memref<1x3328x128xi32, #tpu.memory_space<hbm>>
      %dma_start3A_21 = tpu.memref_squeeze %dma_start3A_20 : memref<1x3328x128xi32, #tpu.memory_space<hbm>> -> memref<3328x128xi32, #tpu.memory_space<hbm>>
      %dma_start3A_22 = arith.constant 0 : i32
      %dma_start3A_23 = tpu.memref_slice %dma_start3A_21[%mul3A_6, %dma_start3A_22] : memref<3328x128xi32, #tpu.memory_space<hbm>> -> memref<104x128xi32, #tpu.memory_space<hbm>>
      tpu.enqueue_dma source(%dma_start3A_23 : memref<104x128xi32, #tpu.memory_space<hbm>>) target(%arg7 : memref<104x128xi32, #tpu.memory_space<vmem>>) target_semaphore(%run_scoped3A_12 : memref<!tpu.dma_semaphore, #tpu.memory_space<semaphore_mem>>)
      %dma_wait3A = arith.constant 0 : i32
      %dma_wait3A_24 = arith.constant 0 : i32
      %dma_wait3A_25 = tpu.memref_slice %arg3[%run_scoped3A_7, %dma_wait3A, %dma_wait3A_24] : memref<2x3328x128xi32, #tpu.memory_space<hbm>> -> memref<1x3328x128xi32, #tpu.memory_space<hbm>>
      %dma_wait3A_26 = tpu.memref_squeeze %dma_wait3A_25 : memref<1x3328x128xi32, #tpu.memory_space<hbm>> -> memref<3328x128xi32, #tpu.memory_space<hbm>>
      %dma_wait3A_27 = arith.constant 0 : i32
      %dma_wait3A_28 = tpu.memref_slice %dma_wait3A_26[%mul3A_6, %dma_wait3A_27] : memref<3328x128xi32, #tpu.memory_space<hbm>> -> memref<104x128xi32, #tpu.memory_space<hbm>>
      %dma_wait3A_29 = arith.constant 0 : i32
      %dma_wait3A_30 = arith.constant 0 : i32
      %dma_wait3A_31 = tpu.memref_slice %arg3[%run_scoped3A_7, %dma_wait3A_29, %dma_wait3A_30] : memref<2x3328x128xi32, #tpu.memory_space<hbm>> -> memref<1x3328x128xi32, #tpu.memory_space<hbm>>
      %dma_wait3A_32 = tpu.memref_squeeze %dma_wait3A_31 : memref<1x3328x128xi32, #tpu.memory_space<hbm>> -> memref<3328x128xi32, #tpu.memory_space<hbm>>
      %dma_wait3A_33 = arith.constant 0 : i32
      %dma_wait3A_34 = tpu.memref_slice %dma_wait3A_32[%mul3A_6, %dma_wait3A_33] : memref<3328x128xi32, #tpu.memory_space<hbm>> -> memref<104x128xi32, #tpu.memory_space<hbm>>
      tpu.wait_dma2 semaphore(%run_scoped3A_12 : memref<!tpu.dma_semaphore, #tpu.memory_space<semaphore_mem>>) src(%dma_wait3A_34 : memref<104x128xi32, #tpu.memory_space<hbm>>) dst(%arg7 : memref<104x128xi32, #tpu.memory_space<vmem>>)
      tpu.yield
    }) : () -> ()
    %scan3A = arith.constant 0 : i32
    %scan3A_8 = arith.constant 8 : i32
    %scan3A_9 = arith.addi %scan3A, %scan3A_8 : i32
    %scan3A_10 = arith.constant 1 : i32
    scf.for %scan3A_12 = %scan3A to %scan3A_9 step %scan3A_10  : i32 {
      %mul3A_13 = arith.constant 1 : i32
      %mul3A_14 = arith.muli %scan3A_12, %mul3A_13 : i32
      %add3A_15 = arith.constant 0 : i32
      %add3A_16 = arith.addi %add3A_15, %mul3A_14 : i32
      %mul3A_17 = arith.constant 13 : i32
      %mul3A_18 = arith.muli %add3A_16, %mul3A_17 : i32
      %add3A_19 = arith.constant 0 : i32
      %add3A_20 = arith.addi %mul3A_18, %add3A_19 : i32
      %mul3A_21 = arith.constant 128 : i32
      %mul3A_22 = arith.muli %add3A_20, %mul3A_21 : i32
      %dma_start3A = tpu.memref_slice %arg8[%mul3A_22] : memref<13312xf32, #tpu.memory_space<vmem>> -> memref<128xf32, #tpu.memory_space<vmem>>
      %dma_start3A_23 = arith.constant 0 : i32
      %dma_start3A_24 = tpu.memref_slice %arg6[%add3A_20, %dma_start3A_23] : memref<104x128xi32, #tpu.memory_space<vmem>> -> memref<1x128xi32, #tpu.memory_space<vmem>>
      %dma_start3A_25 = tpu.memref_squeeze %dma_start3A_24 : memref<1x128xi32, #tpu.memory_space<vmem>> -> memref<128xi32, #tpu.memory_space<vmem>>
      %dma_start3A_26 = arith.constant 0 : i32
      %dma_start3A_27 = tpu.memref_slice %arg2[%dma_start3A_26] : memref<800000xf32, #tpu.memory_space<hbm>> -> memref<800000xf32, #tpu.memory_space<hbm>>
      tpu.enqueue_indirect_dma source(%dma_start3A_27 : memref<800000xf32, #tpu.memory_space<hbm>>) target(%dma_start3A : memref<128xf32, #tpu.memory_space<vmem>>) offsets(%dma_start3A_25 : memref<128xi32, #tpu.memory_space<vmem>>) semaphore(%arg10 : memref<!tpu.dma_semaphore, #tpu.memory_space<semaphore_mem>>)
      %mul3A_28 = arith.constant 128 : i32
      %mul3A_29 = arith.muli %add3A_20, %mul3A_28 : i32
      %dma_start3A_30 = tpu.memref_slice %arg9[%mul3A_29] : memref<13312xf32, #tpu.memory_space<vmem>> -> memref<128xf32, #tpu.memory_space<vmem>>
      %dma_start3A_31 = arith.constant 0 : i32
      %dma_start3A_32 = tpu.memref_slice %arg7[%add3A_20, %dma_start3A_31] : memref<104x128xi32, #tpu.memory_space<vmem>> -> memref<1x128xi32, #tpu.memory_space<vmem>>
      %dma_start3A_33 = tpu.memref_squeeze %dma_start3A_32 : memref<1x128xi32, #tpu.memory_space<vmem>> -> memref<128xi32, #tpu.memory_space<vmem>>
      %dma_start3A_34 = arith.constant 0 : i32
      %dma_start3A_35 = tpu.memref_slice %arg2[%dma_start3A_34] : memref<800000xf32, #tpu.memory_space<hbm>> -> memref<800000xf32, #tpu.memory_space<hbm>>
      tpu.enqueue_indirect_dma source(%dma_start3A_35 : memref<800000xf32, #tpu.memory_space<hbm>>) target(%dma_start3A_30 : memref<128xf32, #tpu.memory_space<vmem>>) offsets(%dma_start3A_33 : memref<128xi32, #tpu.memory_space<vmem>>) semaphore(%arg10 : memref<!tpu.dma_semaphore, #tpu.memory_space<semaphore_mem>>)
      %mul3A_36 = arith.constant 13 : i32
      %mul3A_37 = arith.muli %add3A_16, %mul3A_36 : i32
      %add3A_38 = arith.constant 1 : i32
      %add3A_39 = arith.addi %mul3A_37, %add3A_38 : i32
      %mul3A_40 = arith.constant 128 : i32
      %mul3A_41 = arith.muli %add3A_39, %mul3A_40 : i32
      %dma_start3A_42 = tpu.memref_slice %arg8[%mul3A_41] : memref<13312xf32, #tpu.memory_space<vmem>> -> memref<128xf32, #tpu.memory_space<vmem>>
      %dma_start3A_43 = arith.constant 0 : i32
      %dma_start3A_44 = tpu.memref_slice %arg6[%add3A_39, %dma_start3A_43] : memref<104x128xi32, #tpu.memory_space<vmem>> -> memref<1x128xi32, #tpu.memory_space<vmem>>
      %dma_start3A_45 = tpu.memref_squeeze %dma_start3A_44 : memref<1x128xi32, #tpu.memory_space<vmem>> -> memref<128xi32, #tpu.memory_space<vmem>>
      %dma_start3A_46 = arith.constant 0 : i32
      %dma_start3A_47 = tpu.memref_slice %arg2[%dma_start3A_46] : memref<800000xf32, #tpu.memory_space<hbm>> -> memref<800000xf32, #tpu.memory_space<hbm>>
      tpu.enqueue_indirect_dma source(%dma_start3A_47 : memref<800000xf32, #tpu.memory_space<hbm>>) target(%dma_start3A_42 : memref<128xf32, #tpu.memory_space<vmem>>) offsets(%dma_start3A_45 : memref<128xi32, #tpu.memory_space<vmem>>) semaphore(%arg10 : memref<!tpu.dma_semaphore, #tpu.memory_space<semaphore_mem>>)
      %mul3A_48 = arith.constant 128 : i32
      %mul3A_49 = arith.muli %add3A_39, %mul3A_48 : i32
      %dma_start3A_50 = tpu.memref_slice %arg9[%mul3A_49] : memref<13312xf32, #tpu.memory_space<vmem>> -> memref<128xf32, #tpu.memory_space<vmem>>
      %dma_start3A_51 = arith.constant 0 : i32
      %dma_start3A_52 = tpu.memref_slice %arg7[%add3A_39, %dma_start3A_51] : memref<104x128xi32, #tpu.memory_space<vmem>> -> memref<1x128xi32, #tpu.memory_space<vmem>>
      %dma_start3A_53 = tpu.memref_squeeze %dma_start3A_52 : memref<1x128xi32, #tpu.memory_space<vmem>> -> memref<128xi32, #tpu.memory_space<vmem>>
      %dma_start3A_54 = arith.constant 0 : i32
      %dma_start3A_55 = tpu.memref_slice %arg2[%dma_start3A_54] : memref<800000xf32, #tpu.memory_space<hbm>> -> memref<800000xf32, #tpu.memory_space<hbm>>
      tpu.enqueue_indirect_dma source(%dma_start3A_55 : memref<800000xf32, #tpu.memory_space<hbm>>) target(%dma_start3A_50 : memref<128xf32, #tpu.memory_space<vmem>>) offsets(%dma_start3A_53 : memref<128xi32, #tpu.memory_space<vmem>>) semaphore(%arg10 : memref<!tpu.dma_semaphore, #tpu.memory_space<semaphore_mem>>)
      %mul3A_56 = arith.constant 13 : i32
      %mul3A_57 = arith.muli %add3A_16, %mul3A_56 : i32
      %add3A_58 = arith.constant 2 : i32
      %add3A_59 = arith.addi %mul3A_57, %add3A_58 : i32
      %mul3A_60 = arith.constant 128 : i32
      %mul3A_61 = arith.muli %add3A_59, %mul3A_60 : i32
      %dma_start3A_62 = tpu.memref_slice %arg8[%mul3A_61] : memref<13312xf32, #tpu.memory_space<vmem>> -> memref<128xf32, #tpu.memory_space<vmem>>
      %dma_start3A_63 = arith.constant 0 : i32
      %dma_start3A_64 = tpu.memref_slice %arg6[%add3A_59, %dma_start3A_63] : memref<104x128xi32, #tpu.memory_space<vmem>> -> memref<1x128xi32, #tpu.memory_space<vmem>>
      %dma_start3A_65 = tpu.memref_squeeze %dma_start3A_64 : memref<1x128xi32, #tpu.memory_space<vmem>> -> memref<128xi32, #tpu.memory_space<vmem>>
      %dma_start3A_66 = arith.constant 0 : i32
      %dma_start3A_67 = tpu.memref_slice %arg2[%dma_start3A_66] : memref<800000xf32, #tpu.memory_space<hbm>> -> memref<800000xf32, #tpu.memory_space<hbm>>
      tpu.enqueue_indirect_dma source(%dma_start3A_67 : memref<800000xf32, #tpu.memory_space<hbm>>) target(%dma_start3A_62 : memref<128xf32, #tpu.memory_space<vmem>>) offsets(%dma_start3A_65 : memref<128xi32, #tpu.memory_space<vmem>>) semaphore(%arg10 : memref<!tpu.dma_semaphore, #tpu.memory_space<semaphore_mem>>)
      %mul3A_68 = arith.constant 128 : i32
      %mul3A_69 = arith.muli %add3A_59, %mul3A_68 : i32
      %dma_start3A_70 = tpu.memref_slice %arg9[%mul3A_69] : memref<13312xf32, #tpu.memory_space<vmem>> -> memref<128xf32, #tpu.memory_space<vmem>>
      %dma_start3A_71 = arith.constant 0 : i32
      %dma_start3A_72 = tpu.memref_slice %arg7[%add3A_59, %dma_start3A_71] : memref<104x128xi32, #tpu.memory_space<vmem>> -> memref<1x128xi32, #tpu.memory_space<vmem>>
      %dma_start3A_73 = tpu.memref_squeeze %dma_start3A_72 : memref<1x128xi32, #tpu.memory_space<vmem>> -> memref<128xi32, #tpu.memory_space<vmem>>
      %dma_start3A_74 = arith.constant 0 : i32
      %dma_start3A_75 = tpu.memref_slice %arg2[%dma_start3A_74] : memref<800000xf32, #tpu.memory_space<hbm>> -> memref<800000xf32, #tpu.memory_space<hbm>>
      tpu.enqueue_indirect_dma source(%dma_start3A_75 : memref<800000xf32, #tpu.memory_space<hbm>>) target(%dma_start3A_70 : memref<128xf32, #tpu.memory_space<vmem>>) offsets(%dma_start3A_73 : memref<128xi32, #tpu.memory_space<vmem>>) semaphore(%arg10 : memref<!tpu.dma_semaphore, #tpu.memory_space<semaphore_mem>>)
      %mul3A_76 = arith.constant 13 : i32
      %mul3A_77 = arith.muli %add3A_16, %mul3A_76 : i32
      %add3A_78 = arith.constant 3 : i32
      %add3A_79 = arith.addi %mul3A_77, %add3A_78 : i32
      %mul3A_80 = arith.constant 128 : i32
      %mul3A_81 = arith.muli %add3A_79, %mul3A_80 : i32
      %dma_start3A_82 = tpu.memref_slice %arg8[%mul3A_81] : memref<13312xf32, #tpu.memory_space<vmem>> -> memref<128xf32, #tpu.memory_space<vmem>>
      %dma_start3A_83 = arith.constant 0 : i32
      %dma_start3A_84 = tpu.memref_slice %arg6[%add3A_79, %dma_start3A_83] : memref<104x128xi32, #tpu.memory_space<vmem>> -> memref<1x128xi32, #tpu.memory_space<vmem>>
      %dma_start3A_85 = tpu.memref_squeeze %dma_start3A_84 : memref<1x128xi32, #tpu.memory_space<vmem>> -> memref<128xi32, #tpu.memory_space<vmem>>
      %dma_start3A_86 = arith.constant 0 : i32
      %dma_start3A_87 = tpu.memref_slice %arg2[%dma_start3A_86] : memref<800000xf32, #tpu.memory_space<hbm>> -> memref<800000xf32, #tpu.memory_space<hbm>>
      tpu.enqueue_indirect_dma source(%dma_start3A_87 : memref<800000xf32, #tpu.memory_space<hbm>>) target(%dma_start3A_82 : memref<128xf32, #tpu.memory_space<vmem>>) offsets(%dma_start3A_85 : memref<128xi32, #tpu.memory_space<vmem>>) semaphore(%arg10 : memref<!tpu.dma_semaphore, #tpu.memory_space<semaphore_mem>>)
      %mul3A_88 = arith.constant 128 : i32
      %mul3A_89 = arith.muli %add3A_79, %mul3A_88 : i32
      %dma_start3A_90 = tpu.memref_slice %arg9[%mul3A_89] : memref<13312xf32, #tpu.memory_space<vmem>> -> memref<128xf32, #tpu.memory_space<vmem>>
      %dma_start3A_91 = arith.constant 0 : i32
      %dma_start3A_92 = tpu.memref_slice %arg7[%add3A_79, %dma_start3A_91] : memref<104x128xi32, #tpu.memory_space<vmem>> -> memref<1x128xi32, #tpu.memory_space<vmem>>
      %dma_start3A_93 = tpu.memref_squeeze %dma_start3A_92 : memref<1x128xi32, #tpu.memory_space<vmem>> -> memref<128xi32, #tpu.memory_space<vmem>>
      %dma_start3A_94 = arith.constant 0 : i32
      %dma_start3A_95 = tpu.memref_slice %arg2[%dma_start3A_94] : memref<800000xf32, #tpu.memory_space<hbm>> -> memref<800000xf32, #tpu.memory_space<hbm>>
      tpu.enqueue_indirect_dma source(%dma_start3A_95 : memref<800000xf32, #tpu.memory_space<hbm>>) target(%dma_start3A_90 : memref<128xf32, #tpu.memory_space<vmem>>) offsets(%dma_start3A_93 : memref<128xi32, #tpu.memory_space<vmem>>) semaphore(%arg10 : memref<!tpu.dma_semaphore, #tpu.memory_space<semaphore_mem>>)
      %mul3A_96 = arith.constant 13 : i32
      %mul3A_97 = arith.muli %add3A_16, %mul3A_96 : i32
      %add3A_98 = arith.constant 4 : i32
      %add3A_99 = arith.addi %mul3A_97, %add3A_98 : i32
      %mul3A_100 = arith.constant 128 : i32
      %mul3A_101 = arith.muli %add3A_99, %mul3A_100 : i32
      %dma_start3A_102 = tpu.memref_slice %arg8[%mul3A_101] : memref<13312xf32, #tpu.memory_space<vmem>> -> memref<128xf32, #tpu.memory_space<vmem>>
      %dma_start3A_103 = arith.constant 0 : i32
      %dma_start3A_104 = tpu.memref_slice %arg6[%add3A_99, %dma_start3A_103] : memref<104x128xi32, #tpu.memory_space<vmem>> -> memref<1x128xi32, #tpu.memory_space<vmem>>
      %dma_start3A_105 = tpu.memref_squeeze %dma_start3A_104 : memref<1x128xi32, #tpu.memory_space<vmem>> -> memref<128xi32, #tpu.memory_space<vmem>>
      %dma_start3A_106 = arith.constant 0 : i32
      %dma_start3A_107 = tpu.memref_slice %arg2[%dma_start3A_106] : memref<800000xf32, #tpu.memory_space<hbm>> -> memref<800000xf32, #tpu.memory_space<hbm>>
      tpu.enqueue_indirect_dma source(%dma_start3A_107 : memref<800000xf32, #tpu.memory_space<hbm>>) target(%dma_start3A_102 : memref<128xf32, #tpu.memory_space<vmem>>) offsets(%dma_start3A_105 : memref<128xi32, #tpu.memory_space<vmem>>) semaphore(%arg10 : memref<!tpu.dma_semaphore, #tpu.memory_space<semaphore_mem>>)
      %mul3A_108 = arith.constant 128 : i32
      %mul3A_109 = arith.muli %add3A_99, %mul3A_108 : i32
      %dma_start3A_110 = tpu.memref_slice %arg9[%mul3A_109] : memref<13312xf32, #tpu.memory_space<vmem>> -> memref<128xf32, #tpu.memory_space<vmem>>
      %dma_start3A_111 = arith.constant 0 : i32
      %dma_start3A_112 = tpu.memref_slice %arg7[%add3A_99, %dma_start3A_111] : memref<104x128xi32, #tpu.memory_space<vmem>> -> memref<1x128xi32, #tpu.memory_space<vmem>>
      %dma_start3A_113 = tpu.memref_squeeze %dma_start3A_112 : memref<1x128xi32, #tpu.memory_space<vmem>> -> memref<128xi32, #tpu.memory_space<vmem>>
      %dma_start3A_114 = arith.constant 0 : i32
      %dma_start3A_115 = tpu.memref_slice %arg2[%dma_start3A_114] : memref<800000xf32, #tpu.memory_space<hbm>> -> memref<800000xf32, #tpu.memory_space<hbm>>
      tpu.enqueue_indirect_dma source(%dma_start3A_115 : memref<800000xf32, #tpu.memory_space<hbm>>) target(%dma_start3A_110 : memref<128xf32, #tpu.memory_space<vmem>>) offsets(%dma_start3A_113 : memref<128xi32, #tpu.memory_space<vmem>>) semaphore(%arg10 : memref<!tpu.dma_semaphore, #tpu.memory_space<semaphore_mem>>)
      %mul3A_116 = arith.constant 13 : i32
      %mul3A_117 = arith.muli %add3A_16, %mul3A_116 : i32
      %add3A_118 = arith.constant 5 : i32
      %add3A_119 = arith.addi %mul3A_117, %add3A_118 : i32
      %mul3A_120 = arith.constant 128 : i32
      %mul3A_121 = arith.muli %add3A_119, %mul3A_120 : i32
      %dma_start3A_122 = tpu.memref_slice %arg8[%mul3A_121] : memref<13312xf32, #tpu.memory_space<vmem>> -> memref<128xf32, #tpu.memory_space<vmem>>
      %dma_start3A_123 = arith.constant 0 : i32
      %dma_start3A_124 = tpu.memref_slice %arg6[%add3A_119, %dma_start3A_123] : memref<104x128xi32, #tpu.memory_space<vmem>> -> memref<1x128xi32, #tpu.memory_space<vmem>>
      %dma_start3A_125 = tpu.memref_squeeze %dma_start3A_124 : memref<1x128xi32, #tpu.memory_space<vmem>> -> memref<128xi32, #tpu.memory_space<vmem>>
      %dma_start3A_126 = arith.constant 0 : i32
      %dma_start3A_127 = tpu.memref_slice %arg2[%dma_start3A_126] : memref<800000xf32, #tpu.memory_space<hbm>> -> memref<800000xf32, #tpu.memory_space<hbm>>
      tpu.enqueue_indirect_dma source(%dma_start3A_127 : memref<800000xf32, #tpu.memory_space<hbm>>) target(%dma_start3A_122 : memref<128xf32, #tpu.memory_space<vmem>>) offsets(%dma_start3A_125 : memref<128xi32, #tpu.memory_space<vmem>>) semaphore(%arg10 : memref<!tpu.dma_semaphore, #tpu.memory_space<semaphore_mem>>)
      %mul3A_128 = arith.constant 128 : i32
      %mul3A_129 = arith.muli %add3A_119, %mul3A_128 : i32
      %dma_start3A_130 = tpu.memref_slice %arg9[%mul3A_129] : memref<13312xf32, #tpu.memory_space<vmem>> -> memref<128xf32, #tpu.memory_space<vmem>>
      %dma_start3A_131 = arith.constant 0 : i32
      %dma_start3A_132 = tpu.memref_slice %arg7[%add3A_119, %dma_start3A_131] : memref<104x128xi32, #tpu.memory_space<vmem>> -> memref<1x128xi32, #tpu.memory_space<vmem>>
      %dma_start3A_133 = tpu.memref_squeeze %dma_start3A_132 : memref<1x128xi32, #tpu.memory_space<vmem>> -> memref<128xi32, #tpu.memory_space<vmem>>
      %dma_start3A_134 = arith.constant 0 : i32
      %dma_start3A_135 = tpu.memref_slice %arg2[%dma_start3A_134] : memref<800000xf32, #tpu.memory_space<hbm>> -> memref<800000xf32, #tpu.memory_space<hbm>>
      tpu.enqueue_indirect_dma source(%dma_start3A_135 : memref<800000xf32, #tpu.memory_space<hbm>>) target(%dma_start3A_130 : memref<128xf32, #tpu.memory_space<vmem>>) offsets(%dma_start3A_133 : memref<128xi32, #tpu.memory_space<vmem>>) semaphore(%arg10 : memref<!tpu.dma_semaphore, #tpu.memory_space<semaphore_mem>>)
      %mul3A_136 = arith.constant 13 : i32
      %mul3A_137 = arith.muli %add3A_16, %mul3A_136 : i32
      %add3A_138 = arith.constant 6 : i32
      %add3A_139 = arith.addi %mul3A_137, %add3A_138 : i32
      %mul3A_140 = arith.constant 128 : i32
      %mul3A_141 = arith.muli %add3A_139, %mul3A_140 : i32
      %dma_start3A_142 = tpu.memref_slice %arg8[%mul3A_141] : memref<13312xf32, #tpu.memory_space<vmem>> -> memref<128xf32, #tpu.memory_space<vmem>>
      %dma_start3A_143 = arith.constant 0 : i32
      %dma_start3A_144 = tpu.memref_slice %arg6[%add3A_139, %dma_start3A_143] : memref<104x128xi32, #tpu.memory_space<vmem>> -> memref<1x128xi32, #tpu.memory_space<vmem>>
      %dma_start3A_145 = tpu.memref_squeeze %dma_start3A_144 : memref<1x128xi32, #tpu.memory_space<vmem>> -> memref<128xi32, #tpu.memory_space<vmem>>
      %dma_start3A_146 = arith.constant 0 : i32
      %dma_start3A_147 = tpu.memref_slice %arg2[%dma_start3A_146] : memref<800000xf32, #tpu.memory_space<hbm>> -> memref<800000xf32, #tpu.memory_space<hbm>>
      tpu.enqueue_indirect_dma source(%dma_start3A_147 : memref<800000xf32, #tpu.memory_space<hbm>>) target(%dma_start3A_142 : memref<128xf32, #tpu.memory_space<vmem>>) offsets(%dma_start3A_145 : memref<128xi32, #tpu.memory_space<vmem>>) semaphore(%arg10 : memref<!tpu.dma_semaphore, #tpu.memory_space<semaphore_mem>>)
      %mul3A_148 = arith.constant 128 : i32
      %mul3A_149 = arith.muli %add3A_139, %mul3A_148 : i32
      %dma_start3A_150 = tpu.memref_slice %arg9[%mul3A_149] : memref<13312xf32, #tpu.memory_space<vmem>> -> memref<128xf32, #tpu.memory_space<vmem>>
      %dma_start3A_151 = arith.constant 0 : i32
      %dma_start3A_152 = tpu.memref_slice %arg7[%add3A_139, %dma_start3A_151] : memref<104x128xi32, #tpu.memory_space<vmem>> -> memref<1x128xi32, #tpu.memory_space<vmem>>
      %dma_start3A_153 = tpu.memref_squeeze %dma_start3A_152 : memref<1x128xi32, #tpu.memory_space<vmem>> -> memref<128xi32, #tpu.memory_space<vmem>>
      %dma_start3A_154 = arith.constant 0 : i32
      %dma_start3A_155 = tpu.memref_slice %arg2[%dma_start3A_154] : memref<800000xf32, #tpu.memory_space<hbm>> -> memref<800000xf32, #tpu.memory_space<hbm>>
      tpu.enqueue_indirect_dma source(%dma_start3A_155 : memref<800000xf32, #tpu.memory_space<hbm>>) target(%dma_start3A_150 : memref<128xf32, #tpu.memory_space<vmem>>) offsets(%dma_start3A_153 : memref<128xi32, #tpu.memory_space<vmem>>) semaphore(%arg10 : memref<!tpu.dma_semaphore, #tpu.memory_space<semaphore_mem>>)
      %mul3A_156 = arith.constant 13 : i32
      %mul3A_157 = arith.muli %add3A_16, %mul3A_156 : i32
      %add3A_158 = arith.constant 7 : i32
      %add3A_159 = arith.addi %mul3A_157, %add3A_158 : i32
      %mul3A_160 = arith.constant 128 : i32
      %mul3A_161 = arith.muli %add3A_159, %mul3A_160 : i32
      %dma_start3A_162 = tpu.memref_slice %arg8[%mul3A_161] : memref<13312xf32, #tpu.memory_space<vmem>> -> memref<128xf32, #tpu.memory_space<vmem>>
      %dma_start3A_163 = arith.constant 0 : i32
      %dma_start3A_164 = tpu.memref_slice %arg6[%add3A_159, %dma_start3A_163] : memref<104x128xi32, #tpu.memory_space<vmem>> -> memref<1x128xi32, #tpu.memory_space<vmem>>
      %dma_start3A_165 = tpu.memref_squeeze %dma_start3A_164 : memref<1x128xi32, #tpu.memory_space<vmem>> -> memref<128xi32, #tpu.memory_space<vmem>>
      %dma_start3A_166 = arith.constant 0 : i32
      %dma_start3A_167 = tpu.memref_slice %arg2[%dma_start3A_166] : memref<800000xf32, #tpu.memory_space<hbm>> -> memref<800000xf32, #tpu.memory_space<hbm>>
      tpu.enqueue_indirect_dma source(%dma_start3A_167 : memref<800000xf32, #tpu.memory_space<hbm>>) target(%dma_start3A_162 : memref<128xf32, #tpu.memory_space<vmem>>) offsets(%dma_start3A_165 : memref<128xi32, #tpu.memory_space<vmem>>) semaphore(%arg10 : memref<!tpu.dma_semaphore, #tpu.memory_space<semaphore_mem>>)
      %mul3A_168 = arith.constant 128 : i32
      %mul3A_169 = arith.muli %add3A_159, %mul3A_168 : i32
      %dma_start3A_170 = tpu.memref_slice %arg9[%mul3A_169] : memref<13312xf32, #tpu.memory_space<vmem>> -> memref<128xf32, #tpu.memory_space<vmem>>
      %dma_start3A_171 = arith.constant 0 : i32
      %dma_start3A_172 = tpu.memref_slice %arg7[%add3A_159, %dma_start3A_171] : memref<104x128xi32, #tpu.memory_space<vmem>> -> memref<1x128xi32, #tpu.memory_space<vmem>>
      %dma_start3A_173 = tpu.memref_squeeze %dma_start3A_172 : memref<1x128xi32, #tpu.memory_space<vmem>> -> memref<128xi32, #tpu.memory_space<vmem>>
      %dma_start3A_174 = arith.constant 0 : i32
      %dma_start3A_175 = tpu.memref_slice %arg2[%dma_start3A_174] : memref<800000xf32, #tpu.memory_space<hbm>> -> memref<800000xf32, #tpu.memory_space<hbm>>
      tpu.enqueue_indirect_dma source(%dma_start3A_175 : memref<800000xf32, #tpu.memory_space<hbm>>) target(%dma_start3A_170 : memref<128xf32, #tpu.memory_space<vmem>>) offsets(%dma_start3A_173 : memref<128xi32, #tpu.memory_space<vmem>>) semaphore(%arg10 : memref<!tpu.dma_semaphore, #tpu.memory_space<semaphore_mem>>)
      %mul3A_176 = arith.constant 13 : i32
      %mul3A_177 = arith.muli %add3A_16, %mul3A_176 : i32
      %add3A_178 = arith.constant 8 : i32
      %add3A_179 = arith.addi %mul3A_177, %add3A_178 : i32
      %mul3A_180 = arith.constant 128 : i32
      %mul3A_181 = arith.muli %add3A_179, %mul3A_180 : i32
      %dma_start3A_182 = tpu.memref_slice %arg8[%mul3A_181] : memref<13312xf32, #tpu.memory_space<vmem>> -> memref<128xf32, #tpu.memory_space<vmem>>
      %dma_start3A_183 = arith.constant 0 : i32
      %dma_start3A_184 = tpu.memref_slice %arg6[%add3A_179, %dma_start3A_183] : memref<104x128xi32, #tpu.memory_space<vmem>> -> memref<1x128xi32, #tpu.memory_space<vmem>>
      %dma_start3A_185 = tpu.memref_squeeze %dma_start3A_184 : memref<1x128xi32, #tpu.memory_space<vmem>> -> memref<128xi32, #tpu.memory_space<vmem>>
      %dma_start3A_186 = arith.constant 0 : i32
      %dma_start3A_187 = tpu.memref_slice %arg2[%dma_start3A_186] : memref<800000xf32, #tpu.memory_space<hbm>> -> memref<800000xf32, #tpu.memory_space<hbm>>
      tpu.enqueue_indirect_dma source(%dma_start3A_187 : memref<800000xf32, #tpu.memory_space<hbm>>) target(%dma_start3A_182 : memref<128xf32, #tpu.memory_space<vmem>>) offsets(%dma_start3A_185 : memref<128xi32, #tpu.memory_space<vmem>>) semaphore(%arg10 : memref<!tpu.dma_semaphore, #tpu.memory_space<semaphore_mem>>)
      %mul3A_188 = arith.constant 128 : i32
      %mul3A_189 = arith.muli %add3A_179, %mul3A_188 : i32
      %dma_start3A_190 = tpu.memref_slice %arg9[%mul3A_189] : memref<13312xf32, #tpu.memory_space<vmem>> -> memref<128xf32, #tpu.memory_space<vmem>>
      %dma_start3A_191 = arith.constant 0 : i32
      %dma_start3A_192 = tpu.memref_slice %arg7[%add3A_179, %dma_start3A_191] : memref<104x128xi32, #tpu.memory_space<vmem>> -> memref<1x128xi32, #tpu.memory_space<vmem>>
      %dma_start3A_193 = tpu.memref_squeeze %dma_start3A_192 : memref<1x128xi32, #tpu.memory_space<vmem>> -> memref<128xi32, #tpu.memory_space<vmem>>
      %dma_start3A_194 = arith.constant 0 : i32
      %dma_start3A_195 = tpu.memref_slice %arg2[%dma_start3A_194] : memref<800000xf32, #tpu.memory_space<hbm>> -> memref<800000xf32, #tpu.memory_space<hbm>>
      tpu.enqueue_indirect_dma source(%dma_start3A_195 : memref<800000xf32, #tpu.memory_space<hbm>>) target(%dma_start3A_190 : memref<128xf32, #tpu.memory_space<vmem>>) offsets(%dma_start3A_193 : memref<128xi32, #tpu.memory_space<vmem>>) semaphore(%arg10 : memref<!tpu.dma_semaphore, #tpu.memory_space<semaphore_mem>>)
      %mul3A_196 = arith.constant 13 : i32
      %mul3A_197 = arith.muli %add3A_16, %mul3A_196 : i32
      %add3A_198 = arith.constant 9 : i32
      %add3A_199 = arith.addi %mul3A_197, %add3A_198 : i32
      %mul3A_200 = arith.constant 128 : i32
      %mul3A_201 = arith.muli %add3A_199, %mul3A_200 : i32
      %dma_start3A_202 = tpu.memref_slice %arg8[%mul3A_201] : memref<13312xf32, #tpu.memory_space<vmem>> -> memref<128xf32, #tpu.memory_space<vmem>>
      %dma_start3A_203 = arith.constant 0 : i32
      %dma_start3A_204 = tpu.memref_slice %arg6[%add3A_199, %dma_start3A_203] : memref<104x128xi32, #tpu.memory_space<vmem>> -> memref<1x128xi32, #tpu.memory_space<vmem>>
      %dma_start3A_205 = tpu.memref_squeeze %dma_start3A_204 : memref<1x128xi32, #tpu.memory_space<vmem>> -> memref<128xi32, #tpu.memory_space<vmem>>
      %dma_start3A_206 = arith.constant 0 : i32
      %dma_start3A_207 = tpu.memref_slice %arg2[%dma_start3A_206] : memref<800000xf32, #tpu.memory_space<hbm>> -> memref<800000xf32, #tpu.memory_space<hbm>>
      tpu.enqueue_indirect_dma source(%dma_start3A_207 : memref<800000xf32, #tpu.memory_space<hbm>>) target(%dma_start3A_202 : memref<128xf32, #tpu.memory_space<vmem>>) offsets(%dma_start3A_205 : memref<128xi32, #tpu.memory_space<vmem>>) semaphore(%arg10 : memref<!tpu.dma_semaphore, #tpu.memory_space<semaphore_mem>>)
      %mul3A_208 = arith.constant 128 : i32
      %mul3A_209 = arith.muli %add3A_199, %mul3A_208 : i32
      %dma_start3A_210 = tpu.memref_slice %arg9[%mul3A_209] : memref<13312xf32, #tpu.memory_space<vmem>> -> memref<128xf32, #tpu.memory_space<vmem>>
      %dma_start3A_211 = arith.constant 0 : i32
      %dma_start3A_212 = tpu.memref_slice %arg7[%add3A_199, %dma_start3A_211] : memref<104x128xi32, #tpu.memory_space<vmem>> -> memref<1x128xi32, #tpu.memory_space<vmem>>
      %dma_start3A_213 = tpu.memref_squeeze %dma_start3A_212 : memref<1x128xi32, #tpu.memory_space<vmem>> -> memref<128xi32, #tpu.memory_space<vmem>>
      %dma_start3A_214 = arith.constant 0 : i32
      %dma_start3A_215 = tpu.memref_slice %arg2[%dma_start3A_214] : memref<800000xf32, #tpu.memory_space<hbm>> -> memref<800000xf32, #tpu.memory_space<hbm>>
      tpu.enqueue_indirect_dma source(%dma_start3A_215 : memref<800000xf32, #tpu.memory_space<hbm>>) target(%dma_start3A_210 : memref<128xf32, #tpu.memory_space<vmem>>) offsets(%dma_start3A_213 : memref<128xi32, #tpu.memory_space<vmem>>) semaphore(%arg10 : memref<!tpu.dma_semaphore, #tpu.memory_space<semaphore_mem>>)
      %mul3A_216 = arith.constant 13 : i32
      %mul3A_217 = arith.muli %add3A_16, %mul3A_216 : i32
      %add3A_218 = arith.constant 10 : i32
      %add3A_219 = arith.addi %mul3A_217, %add3A_218 : i32
      %mul3A_220 = arith.constant 128 : i32
      %mul3A_221 = arith.muli %add3A_219, %mul3A_220 : i32
      %dma_start3A_222 = tpu.memref_slice %arg8[%mul3A_221] : memref<13312xf32, #tpu.memory_space<vmem>> -> memref<128xf32, #tpu.memory_space<vmem>>
      %dma_start3A_223 = arith.constant 0 : i32
      %dma_start3A_224 = tpu.memref_slice %arg6[%add3A_219, %dma_start3A_223] : memref<104x128xi32, #tpu.memory_space<vmem>> -> memref<1x128xi32, #tpu.memory_space<vmem>>
      %dma_start3A_225 = tpu.memref_squeeze %dma_start3A_224 : memref<1x128xi32, #tpu.memory_space<vmem>> -> memref<128xi32, #tpu.memory_space<vmem>>
      %dma_start3A_226 = arith.constant 0 : i32
      %dma_start3A_227 = tpu.memref_slice %arg2[%dma_start3A_226] : memref<800000xf32, #tpu.memory_space<hbm>> -> memref<800000xf32, #tpu.memory_space<hbm>>
      tpu.enqueue_indirect_dma source(%dma_start3A_227 : memref<800000xf32, #tpu.memory_space<hbm>>) target(%dma_start3A_222 : memref<128xf32, #tpu.memory_space<vmem>>) offsets(%dma_start3A_225 : memref<128xi32, #tpu.memory_space<vmem>>) semaphore(%arg10 : memref<!tpu.dma_semaphore, #tpu.memory_space<semaphore_mem>>)
      %mul3A_228 = arith.constant 128 : i32
      %mul3A_229 = arith.muli %add3A_219, %mul3A_228 : i32
      %dma_start3A_230 = tpu.memref_slice %arg9[%mul3A_229] : memref<13312xf32, #tpu.memory_space<vmem>> -> memref<128xf32, #tpu.memory_space<vmem>>
      %dma_start3A_231 = arith.constant 0 : i32
      %dma_start3A_232 = tpu.memref_slice %arg7[%add3A_219, %dma_start3A_231] : memref<104x128xi32, #tpu.memory_space<vmem>> -> memref<1x128xi32, #tpu.memory_space<vmem>>
      %dma_start3A_233 = tpu.memref_squeeze %dma_start3A_232 : memref<1x128xi32, #tpu.memory_space<vmem>> -> memref<128xi32, #tpu.memory_space<vmem>>
      %dma_start3A_234 = arith.constant 0 : i32
      %dma_start3A_235 = tpu.memref_slice %arg2[%dma_start3A_234] : memref<800000xf32, #tpu.memory_space<hbm>> -> memref<800000xf32, #tpu.memory_space<hbm>>
      tpu.enqueue_indirect_dma source(%dma_start3A_235 : memref<800000xf32, #tpu.memory_space<hbm>>) target(%dma_start3A_230 : memref<128xf32, #tpu.memory_space<vmem>>) offsets(%dma_start3A_233 : memref<128xi32, #tpu.memory_space<vmem>>) semaphore(%arg10 : memref<!tpu.dma_semaphore, #tpu.memory_space<semaphore_mem>>)
      %mul3A_236 = arith.constant 13 : i32
      %mul3A_237 = arith.muli %add3A_16, %mul3A_236 : i32
      %add3A_238 = arith.constant 11 : i32
      %add3A_239 = arith.addi %mul3A_237, %add3A_238 : i32
      %mul3A_240 = arith.constant 128 : i32
      %mul3A_241 = arith.muli %add3A_239, %mul3A_240 : i32
      %dma_start3A_242 = tpu.memref_slice %arg8[%mul3A_241] : memref<13312xf32, #tpu.memory_space<vmem>> -> memref<128xf32, #tpu.memory_space<vmem>>
      %dma_start3A_243 = arith.constant 0 : i32
      %dma_start3A_244 = tpu.memref_slice %arg6[%add3A_239, %dma_start3A_243] : memref<104x128xi32, #tpu.memory_space<vmem>> -> memref<1x128xi32, #tpu.memory_space<vmem>>
      %dma_start3A_245 = tpu.memref_squeeze %dma_start3A_244 : memref<1x128xi32, #tpu.memory_space<vmem>> -> memref<128xi32, #tpu.memory_space<vmem>>
      %dma_start3A_246 = arith.constant 0 : i32
      %dma_start3A_247 = tpu.memref_slice %arg2[%dma_start3A_246] : memref<800000xf32, #tpu.memory_space<hbm>> -> memref<800000xf32, #tpu.memory_space<hbm>>
      tpu.enqueue_indirect_dma source(%dma_start3A_247 : memref<800000xf32, #tpu.memory_space<hbm>>) target(%dma_start3A_242 : memref<128xf32, #tpu.memory_space<vmem>>) offsets(%dma_start3A_245 : memref<128xi32, #tpu.memory_space<vmem>>) semaphore(%arg10 : memref<!tpu.dma_semaphore, #tpu.memory_space<semaphore_mem>>)
      %mul3A_248 = arith.constant 128 : i32
      %mul3A_249 = arith.muli %add3A_239, %mul3A_248 : i32
      %dma_start3A_250 = tpu.memref_slice %arg9[%mul3A_249] : memref<13312xf32, #tpu.memory_space<vmem>> -> memref<128xf32, #tpu.memory_space<vmem>>
      %dma_start3A_251 = arith.constant 0 : i32
      %dma_start3A_252 = tpu.memref_slice %arg7[%add3A_239, %dma_start3A_251] : memref<104x128xi32, #tpu.memory_space<vmem>> -> memref<1x128xi32, #tpu.memory_space<vmem>>
      %dma_start3A_253 = tpu.memref_squeeze %dma_start3A_252 : memref<1x128xi32, #tpu.memory_space<vmem>> -> memref<128xi32, #tpu.memory_space<vmem>>
      %dma_start3A_254 = arith.constant 0 : i32
      %dma_start3A_255 = tpu.memref_slice %arg2[%dma_start3A_254] : memref<800000xf32, #tpu.memory_space<hbm>> -> memref<800000xf32, #tpu.memory_space<hbm>>
      tpu.enqueue_indirect_dma source(%dma_start3A_255 : memref<800000xf32, #tpu.memory_space<hbm>>) target(%dma_start3A_250 : memref<128xf32, #tpu.memory_space<vmem>>) offsets(%dma_start3A_253 : memref<128xi32, #tpu.memory_space<vmem>>) semaphore(%arg10 : memref<!tpu.dma_semaphore, #tpu.memory_space<semaphore_mem>>)
      %mul3A_256 = arith.constant 13 : i32
      %mul3A_257 = arith.muli %add3A_16, %mul3A_256 : i32
      %add3A_258 = arith.constant 12 : i32
      %add3A_259 = arith.addi %mul3A_257, %add3A_258 : i32
      %mul3A_260 = arith.constant 128 : i32
      %mul3A_261 = arith.muli %add3A_259, %mul3A_260 : i32
      %dma_start3A_262 = tpu.memref_slice %arg8[%mul3A_261] : memref<13312xf32, #tpu.memory_space<vmem>> -> memref<128xf32, #tpu.memory_space<vmem>>
      %dma_start3A_263 = arith.constant 0 : i32
      %dma_start3A_264 = tpu.memref_slice %arg6[%add3A_259, %dma_start3A_263] : memref<104x128xi32, #tpu.memory_space<vmem>> -> memref<1x128xi32, #tpu.memory_space<vmem>>
      %dma_start3A_265 = tpu.memref_squeeze %dma_start3A_264 : memref<1x128xi32, #tpu.memory_space<vmem>> -> memref<128xi32, #tpu.memory_space<vmem>>
      %dma_start3A_266 = arith.constant 0 : i32
      %dma_start3A_267 = tpu.memref_slice %arg2[%dma_start3A_266] : memref<800000xf32, #tpu.memory_space<hbm>> -> memref<800000xf32, #tpu.memory_space<hbm>>
      tpu.enqueue_indirect_dma source(%dma_start3A_267 : memref<800000xf32, #tpu.memory_space<hbm>>) target(%dma_start3A_262 : memref<128xf32, #tpu.memory_space<vmem>>) offsets(%dma_start3A_265 : memref<128xi32, #tpu.memory_space<vmem>>) semaphore(%arg10 : memref<!tpu.dma_semaphore, #tpu.memory_space<semaphore_mem>>)
      %mul3A_268 = arith.constant 128 : i32
      %mul3A_269 = arith.muli %add3A_259, %mul3A_268 : i32
      %dma_start3A_270 = tpu.memref_slice %arg9[%mul3A_269] : memref<13312xf32, #tpu.memory_space<vmem>> -> memref<128xf32, #tpu.memory_space<vmem>>
      %dma_start3A_271 = arith.constant 0 : i32
      %dma_start3A_272 = tpu.memref_slice %arg7[%add3A_259, %dma_start3A_271] : memref<104x128xi32, #tpu.memory_space<vmem>> -> memref<1x128xi32, #tpu.memory_space<vmem>>
      %dma_start3A_273 = tpu.memref_squeeze %dma_start3A_272 : memref<1x128xi32, #tpu.memory_space<vmem>> -> memref<128xi32, #tpu.memory_space<vmem>>
      %dma_start3A_274 = arith.constant 0 : i32
      %dma_start3A_275 = tpu.memref_slice %arg2[%dma_start3A_274] : memref<800000xf32, #tpu.memory_space<hbm>> -> memref<800000xf32, #tpu.memory_space<hbm>>
      tpu.enqueue_indirect_dma source(%dma_start3A_275 : memref<800000xf32, #tpu.memory_space<hbm>>) target(%dma_start3A_270 : memref<128xf32, #tpu.memory_space<vmem>>) offsets(%dma_start3A_273 : memref<128xi32, #tpu.memory_space<vmem>>) semaphore(%arg10 : memref<!tpu.dma_semaphore, #tpu.memory_space<semaphore_mem>>)
      %dma_wait3A = tpu.memref_slice %arg8[%mul3A_22] : memref<13312xf32, #tpu.memory_space<vmem>> -> memref<128xf32, #tpu.memory_space<vmem>>
      %dma_wait3A_276 = arith.constant 0 : i32
      %dma_wait3A_277 = tpu.memref_slice %arg6[%add3A_20, %dma_wait3A_276] : memref<104x128xi32, #tpu.memory_space<vmem>> -> memref<1x128xi32, #tpu.memory_space<vmem>>
      %dma_wait3A_278 = tpu.memref_squeeze %dma_wait3A_277 : memref<1x128xi32, #tpu.memory_space<vmem>> -> memref<128xi32, #tpu.memory_space<vmem>>
      %dma_wait3A_279 = arith.constant 0 : i32
      %dma_wait3A_280 = tpu.memref_slice %arg2[%dma_wait3A_279] : memref<800000xf32, #tpu.memory_space<hbm>> -> memref<800000xf32, #tpu.memory_space<hbm>>
      tpu.wait_indirect_dma semaphore(%arg10 : memref<!tpu.dma_semaphore, #tpu.memory_space<semaphore_mem>>) src(%dma_wait3A_280 : memref<800000xf32, #tpu.memory_space<hbm>>) dst(%dma_wait3A : memref<128xf32, #tpu.memory_space<vmem>>)
      %dma_wait3A_281 = tpu.memref_slice %arg9[%mul3A_29] : memref<13312xf32, #tpu.memory_space<vmem>> -> memref<128xf32, #tpu.memory_space<vmem>>
      %dma_wait3A_282 = arith.constant 0 : i32
      %dma_wait3A_283 = tpu.memref_slice %arg7[%add3A_20, %dma_wait3A_282] : memref<104x128xi32, #tpu.memory_space<vmem>> -> memref<1x128xi32, #tpu.memory_space<vmem>>
      %dma_wait3A_284 = tpu.memref_squeeze %dma_wait3A_283 : memref<1x128xi32, #tpu.memory_space<vmem>> -> memref<128xi32, #tpu.memory_space<vmem>>
      %dma_wait3A_285 = arith.constant 0 : i32
      %dma_wait3A_286 = tpu.memref_slice %arg2[%dma_wait3A_285] : memref<800000xf32, #tpu.memory_space<hbm>> -> memref<800000xf32, #tpu.memory_space<hbm>>
      tpu.wait_indirect_dma semaphore(%arg10 : memref<!tpu.dma_semaphore, #tpu.memory_space<semaphore_mem>>) src(%dma_wait3A_286 : memref<800000xf32, #tpu.memory_space<hbm>>) dst(%dma_wait3A_281 : memref<128xf32, #tpu.memory_space<vmem>>)
      %dma_wait3A_287 = tpu.memref_slice %arg8[%mul3A_41] : memref<13312xf32, #tpu.memory_space<vmem>> -> memref<128xf32, #tpu.memory_space<vmem>>
      %dma_wait3A_288 = arith.constant 0 : i32
      %dma_wait3A_289 = tpu.memref_slice %arg6[%add3A_39, %dma_wait3A_288] : memref<104x128xi32, #tpu.memory_space<vmem>> -> memref<1x128xi32, #tpu.memory_space<vmem>>
      %dma_wait3A_290 = tpu.memref_squeeze %dma_wait3A_289 : memref<1x128xi32, #tpu.memory_space<vmem>> -> memref<128xi32, #tpu.memory_space<vmem>>
      %dma_wait3A_291 = arith.constant 0 : i32
      %dma_wait3A_292 = tpu.memref_slice %arg2[%dma_wait3A_291] : memref<800000xf32, #tpu.memory_space<hbm>> -> memref<800000xf32, #tpu.memory_space<hbm>>
      tpu.wait_indirect_dma semaphore(%arg10 : memref<!tpu.dma_semaphore, #tpu.memory_space<semaphore_mem>>) src(%dma_wait3A_292 : memref<800000xf32, #tpu.memory_space<hbm>>) dst(%dma_wait3A_287 : memref<128xf32, #tpu.memory_space<vmem>>)
      %dma_wait3A_293 = tpu.memref_slice %arg9[%mul3A_49] : memref<13312xf32, #tpu.memory_space<vmem>> -> memref<128xf32, #tpu.memory_space<vmem>>
      %dma_wait3A_294 = arith.constant 0 : i32
      %dma_wait3A_295 = tpu.memref_slice %arg7[%add3A_39, %dma_wait3A_294] : memref<104x128xi32, #tpu.memory_space<vmem>> -> memref<1x128xi32, #tpu.memory_space<vmem>>
      %dma_wait3A_296 = tpu.memref_squeeze %dma_wait3A_295 : memref<1x128xi32, #tpu.memory_space<vmem>> -> memref<128xi32, #tpu.memory_space<vmem>>
      %dma_wait3A_297 = arith.constant 0 : i32
      %dma_wait3A_298 = tpu.memref_slice %arg2[%dma_wait3A_297] : memref<800000xf32, #tpu.memory_space<hbm>> -> memref<800000xf32, #tpu.memory_space<hbm>>
      tpu.wait_indirect_dma semaphore(%arg10 : memref<!tpu.dma_semaphore, #tpu.memory_space<semaphore_mem>>) src(%dma_wait3A_298 : memref<800000xf32, #tpu.memory_space<hbm>>) dst(%dma_wait3A_293 : memref<128xf32, #tpu.memory_space<vmem>>)
      %dma_wait3A_299 = tpu.memref_slice %arg8[%mul3A_61] : memref<13312xf32, #tpu.memory_space<vmem>> -> memref<128xf32, #tpu.memory_space<vmem>>
      %dma_wait3A_300 = arith.constant 0 : i32
      %dma_wait3A_301 = tpu.memref_slice %arg6[%add3A_59, %dma_wait3A_300] : memref<104x128xi32, #tpu.memory_space<vmem>> -> memref<1x128xi32, #tpu.memory_space<vmem>>
      %dma_wait3A_302 = tpu.memref_squeeze %dma_wait3A_301 : memref<1x128xi32, #tpu.memory_space<vmem>> -> memref<128xi32, #tpu.memory_space<vmem>>
      %dma_wait3A_303 = arith.constant 0 : i32
      %dma_wait3A_304 = tpu.memref_slice %arg2[%dma_wait3A_303] : memref<800000xf32, #tpu.memory_space<hbm>> -> memref<800000xf32, #tpu.memory_space<hbm>>
      tpu.wait_indirect_dma semaphore(%arg10 : memref<!tpu.dma_semaphore, #tpu.memory_space<semaphore_mem>>) src(%dma_wait3A_304 : memref<800000xf32, #tpu.memory_space<hbm>>) dst(%dma_wait3A_299 : memref<128xf32, #tpu.memory_space<vmem>>)
      %dma_wait3A_305 = tpu.memref_slice %arg9[%mul3A_69] : memref<13312xf32, #tpu.memory_space<vmem>> -> memref<128xf32, #tpu.memory_space<vmem>>
      %dma_wait3A_306 = arith.constant 0 : i32
      %dma_wait3A_307 = tpu.memref_slice %arg7[%add3A_59, %dma_wait3A_306] : memref<104x128xi32, #tpu.memory_space<vmem>> -> memref<1x128xi32, #tpu.memory_space<vmem>>
      %dma_wait3A_308 = tpu.memref_squeeze %dma_wait3A_307 : memref<1x128xi32, #tpu.memory_space<vmem>> -> memref<128xi32, #tpu.memory_space<vmem>>
      %dma_wait3A_309 = arith.constant 0 : i32
      %dma_wait3A_310 = tpu.memref_slice %arg2[%dma_wait3A_309] : memref<800000xf32, #tpu.memory_space<hbm>> -> memref<800000xf32, #tpu.memory_space<hbm>>
      tpu.wait_indirect_dma semaphore(%arg10 : memref<!tpu.dma_semaphore, #tpu.memory_space<semaphore_mem>>) src(%dma_wait3A_310 : memref<800000xf32, #tpu.memory_space<hbm>>) dst(%dma_wait3A_305 : memref<128xf32, #tpu.memory_space<vmem>>)
      %dma_wait3A_311 = tpu.memref_slice %arg8[%mul3A_81] : memref<13312xf32, #tpu.memory_space<vmem>> -> memref<128xf32, #tpu.memory_space<vmem>>
      %dma_wait3A_312 = arith.constant 0 : i32
      %dma_wait3A_313 = tpu.memref_slice %arg6[%add3A_79, %dma_wait3A_312] : memref<104x128xi32, #tpu.memory_space<vmem>> -> memref<1x128xi32, #tpu.memory_space<vmem>>
      %dma_wait3A_314 = tpu.memref_squeeze %dma_wait3A_313 : memref<1x128xi32, #tpu.memory_space<vmem>> -> memref<128xi32, #tpu.memory_space<vmem>>
      %dma_wait3A_315 = arith.constant 0 : i32
      %dma_wait3A_316 = tpu.memref_slice %arg2[%dma_wait3A_315] : memref<800000xf32, #tpu.memory_space<hbm>> -> memref<800000xf32, #tpu.memory_space<hbm>>
      tpu.wait_indirect_dma semaphore(%arg10 : memref<!tpu.dma_semaphore, #tpu.memory_space<semaphore_mem>>) src(%dma_wait3A_316 : memref<800000xf32, #tpu.memory_space<hbm>>) dst(%dma_wait3A_311 : memref<128xf32, #tpu.memory_space<vmem>>)
      %dma_wait3A_317 = tpu.memref_slice %arg9[%mul3A_89] : memref<13312xf32, #tpu.memory_space<vmem>> -> memref<128xf32, #tpu.memory_space<vmem>>
      %dma_wait3A_318 = arith.constant 0 : i32
      %dma_wait3A_319 = tpu.memref_slice %arg7[%add3A_79, %dma_wait3A_318] : memref<104x128xi32, #tpu.memory_space<vmem>> -> memref<1x128xi32, #tpu.memory_space<vmem>>
      %dma_wait3A_320 = tpu.memref_squeeze %dma_wait3A_319 : memref<1x128xi32, #tpu.memory_space<vmem>> -> memref<128xi32, #tpu.memory_space<vmem>>
      %dma_wait3A_321 = arith.constant 0 : i32
      %dma_wait3A_322 = tpu.memref_slice %arg2[%dma_wait3A_321] : memref<800000xf32, #tpu.memory_space<hbm>> -> memref<800000xf32, #tpu.memory_space<hbm>>
      tpu.wait_indirect_dma semaphore(%arg10 : memref<!tpu.dma_semaphore, #tpu.memory_space<semaphore_mem>>) src(%dma_wait3A_322 : memref<800000xf32, #tpu.memory_space<hbm>>) dst(%dma_wait3A_317 : memref<128xf32, #tpu.memory_space<vmem>>)
      %dma_wait3A_323 = tpu.memref_slice %arg8[%mul3A_101] : memref<13312xf32, #tpu.memory_space<vmem>> -> memref<128xf32, #tpu.memory_space<vmem>>
      %dma_wait3A_324 = arith.constant 0 : i32
      %dma_wait3A_325 = tpu.memref_slice %arg6[%add3A_99, %dma_wait3A_324] : memref<104x128xi32, #tpu.memory_space<vmem>> -> memref<1x128xi32, #tpu.memory_space<vmem>>
      %dma_wait3A_326 = tpu.memref_squeeze %dma_wait3A_325 : memref<1x128xi32, #tpu.memory_space<vmem>> -> memref<128xi32, #tpu.memory_space<vmem>>
      %dma_wait3A_327 = arith.constant 0 : i32
      %dma_wait3A_328 = tpu.memref_slice %arg2[%dma_wait3A_327] : memref<800000xf32, #tpu.memory_space<hbm>> -> memref<800000xf32, #tpu.memory_space<hbm>>
      tpu.wait_indirect_dma semaphore(%arg10 : memref<!tpu.dma_semaphore, #tpu.memory_space<semaphore_mem>>) src(%dma_wait3A_328 : memref<800000xf32, #tpu.memory_space<hbm>>) dst(%dma_wait3A_323 : memref<128xf32, #tpu.memory_space<vmem>>)
      %dma_wait3A_329 = tpu.memref_slice %arg9[%mul3A_109] : memref<13312xf32, #tpu.memory_space<vmem>> -> memref<128xf32, #tpu.memory_space<vmem>>
      %dma_wait3A_330 = arith.constant 0 : i32
      %dma_wait3A_331 = tpu.memref_slice %arg7[%add3A_99, %dma_wait3A_330] : memref<104x128xi32, #tpu.memory_space<vmem>> -> memref<1x128xi32, #tpu.memory_space<vmem>>
      %dma_wait3A_332 = tpu.memref_squeeze %dma_wait3A_331 : memref<1x128xi32, #tpu.memory_space<vmem>> -> memref<128xi32, #tpu.memory_space<vmem>>
      %dma_wait3A_333 = arith.constant 0 : i32
      %dma_wait3A_334 = tpu.memref_slice %arg2[%dma_wait3A_333] : memref<800000xf32, #tpu.memory_space<hbm>> -> memref<800000xf32, #tpu.memory_space<hbm>>
      tpu.wait_indirect_dma semaphore(%arg10 : memref<!tpu.dma_semaphore, #tpu.memory_space<semaphore_mem>>) src(%dma_wait3A_334 : memref<800000xf32, #tpu.memory_space<hbm>>) dst(%dma_wait3A_329 : memref<128xf32, #tpu.memory_space<vmem>>)
      %dma_wait3A_335 = tpu.memref_slice %arg8[%mul3A_121] : memref<13312xf32, #tpu.memory_space<vmem>> -> memref<128xf32, #tpu.memory_space<vmem>>
      %dma_wait3A_336 = arith.constant 0 : i32
      %dma_wait3A_337 = tpu.memref_slice %arg6[%add3A_119, %dma_wait3A_336] : memref<104x128xi32, #tpu.memory_space<vmem>> -> memref<1x128xi32, #tpu.memory_space<vmem>>
      %dma_wait3A_338 = tpu.memref_squeeze %dma_wait3A_337 : memref<1x128xi32, #tpu.memory_space<vmem>> -> memref<128xi32, #tpu.memory_space<vmem>>
      %dma_wait3A_339 = arith.constant 0 : i32
      %dma_wait3A_340 = tpu.memref_slice %arg2[%dma_wait3A_339] : memref<800000xf32, #tpu.memory_space<hbm>> -> memref<800000xf32, #tpu.memory_space<hbm>>
      tpu.wait_indirect_dma semaphore(%arg10 : memref<!tpu.dma_semaphore, #tpu.memory_space<semaphore_mem>>) src(%dma_wait3A_340 : memref<800000xf32, #tpu.memory_space<hbm>>) dst(%dma_wait3A_335 : memref<128xf32, #tpu.memory_space<vmem>>)
      %dma_wait3A_341 = tpu.memref_slice %arg9[%mul3A_129] : memref<13312xf32, #tpu.memory_space<vmem>> -> memref<128xf32, #tpu.memory_space<vmem>>
      %dma_wait3A_342 = arith.constant 0 : i32
      %dma_wait3A_343 = tpu.memref_slice %arg7[%add3A_119, %dma_wait3A_342] : memref<104x128xi32, #tpu.memory_space<vmem>> -> memref<1x128xi32, #tpu.memory_space<vmem>>
      %dma_wait3A_344 = tpu.memref_squeeze %dma_wait3A_343 : memref<1x128xi32, #tpu.memory_space<vmem>> -> memref<128xi32, #tpu.memory_space<vmem>>
      %dma_wait3A_345 = arith.constant 0 : i32
      %dma_wait3A_346 = tpu.memref_slice %arg2[%dma_wait3A_345] : memref<800000xf32, #tpu.memory_space<hbm>> -> memref<800000xf32, #tpu.memory_space<hbm>>
      tpu.wait_indirect_dma semaphore(%arg10 : memref<!tpu.dma_semaphore, #tpu.memory_space<semaphore_mem>>) src(%dma_wait3A_346 : memref<800000xf32, #tpu.memory_space<hbm>>) dst(%dma_wait3A_341 : memref<128xf32, #tpu.memory_space<vmem>>)
      %dma_wait3A_347 = tpu.memref_slice %arg8[%mul3A_141] : memref<13312xf32, #tpu.memory_space<vmem>> -> memref<128xf32, #tpu.memory_space<vmem>>
      %dma_wait3A_348 = arith.constant 0 : i32
      %dma_wait3A_349 = tpu.memref_slice %arg6[%add3A_139, %dma_wait3A_348] : memref<104x128xi32, #tpu.memory_space<vmem>> -> memref<1x128xi32, #tpu.memory_space<vmem>>
      %dma_wait3A_350 = tpu.memref_squeeze %dma_wait3A_349 : memref<1x128xi32, #tpu.memory_space<vmem>> -> memref<128xi32, #tpu.memory_space<vmem>>
      %dma_wait3A_351 = arith.constant 0 : i32
      %dma_wait3A_352 = tpu.memref_slice %arg2[%dma_wait3A_351] : memref<800000xf32, #tpu.memory_space<hbm>> -> memref<800000xf32, #tpu.memory_space<hbm>>
      tpu.wait_indirect_dma semaphore(%arg10 : memref<!tpu.dma_semaphore, #tpu.memory_space<semaphore_mem>>) src(%dma_wait3A_352 : memref<800000xf32, #tpu.memory_space<hbm>>) dst(%dma_wait3A_347 : memref<128xf32, #tpu.memory_space<vmem>>)
      %dma_wait3A_353 = tpu.memref_slice %arg9[%mul3A_149] : memref<13312xf32, #tpu.memory_space<vmem>> -> memref<128xf32, #tpu.memory_space<vmem>>
      %dma_wait3A_354 = arith.constant 0 : i32
      %dma_wait3A_355 = tpu.memref_slice %arg7[%add3A_139, %dma_wait3A_354] : memref<104x128xi32, #tpu.memory_space<vmem>> -> memref<1x128xi32, #tpu.memory_space<vmem>>
      %dma_wait3A_356 = tpu.memref_squeeze %dma_wait3A_355 : memref<1x128xi32, #tpu.memory_space<vmem>> -> memref<128xi32, #tpu.memory_space<vmem>>
      %dma_wait3A_357 = arith.constant 0 : i32
      %dma_wait3A_358 = tpu.memref_slice %arg2[%dma_wait3A_357] : memref<800000xf32, #tpu.memory_space<hbm>> -> memref<800000xf32, #tpu.memory_space<hbm>>
      tpu.wait_indirect_dma semaphore(%arg10 : memref<!tpu.dma_semaphore, #tpu.memory_space<semaphore_mem>>) src(%dma_wait3A_358 : memref<800000xf32, #tpu.memory_space<hbm>>) dst(%dma_wait3A_353 : memref<128xf32, #tpu.memory_space<vmem>>)
      %dma_wait3A_359 = tpu.memref_slice %arg8[%mul3A_161] : memref<13312xf32, #tpu.memory_space<vmem>> -> memref<128xf32, #tpu.memory_space<vmem>>
      %dma_wait3A_360 = arith.constant 0 : i32
      %dma_wait3A_361 = tpu.memref_slice %arg6[%add3A_159, %dma_wait3A_360] : memref<104x128xi32, #tpu.memory_space<vmem>> -> memref<1x128xi32, #tpu.memory_space<vmem>>
      %dma_wait3A_362 = tpu.memref_squeeze %dma_wait3A_361 : memref<1x128xi32, #tpu.memory_space<vmem>> -> memref<128xi32, #tpu.memory_space<vmem>>
      %dma_wait3A_363 = arith.constant 0 : i32
      %dma_wait3A_364 = tpu.memref_slice %arg2[%dma_wait3A_363] : memref<800000xf32, #tpu.memory_space<hbm>> -> memref<800000xf32, #tpu.memory_space<hbm>>
      tpu.wait_indirect_dma semaphore(%arg10 : memref<!tpu.dma_semaphore, #tpu.memory_space<semaphore_mem>>) src(%dma_wait3A_364 : memref<800000xf32, #tpu.memory_space<hbm>>) dst(%dma_wait3A_359 : memref<128xf32, #tpu.memory_space<vmem>>)
      %dma_wait3A_365 = tpu.memref_slice %arg9[%mul3A_169] : memref<13312xf32, #tpu.memory_space<vmem>> -> memref<128xf32, #tpu.memory_space<vmem>>
      %dma_wait3A_366 = arith.constant 0 : i32
      %dma_wait3A_367 = tpu.memref_slice %arg7[%add3A_159, %dma_wait3A_366] : memref<104x128xi32, #tpu.memory_space<vmem>> -> memref<1x128xi32, #tpu.memory_space<vmem>>
      %dma_wait3A_368 = tpu.memref_squeeze %dma_wait3A_367 : memref<1x128xi32, #tpu.memory_space<vmem>> -> memref<128xi32, #tpu.memory_space<vmem>>
      %dma_wait3A_369 = arith.constant 0 : i32
      %dma_wait3A_370 = tpu.memref_slice %arg2[%dma_wait3A_369] : memref<800000xf32, #tpu.memory_space<hbm>> -> memref<800000xf32, #tpu.memory_space<hbm>>
      tpu.wait_indirect_dma semaphore(%arg10 : memref<!tpu.dma_semaphore, #tpu.memory_space<semaphore_mem>>) src(%dma_wait3A_370 : memref<800000xf32, #tpu.memory_space<hbm>>) dst(%dma_wait3A_365 : memref<128xf32, #tpu.memory_space<vmem>>)
      %dma_wait3A_371 = tpu.memref_slice %arg8[%mul3A_181] : memref<13312xf32, #tpu.memory_space<vmem>> -> memref<128xf32, #tpu.memory_space<vmem>>
      %dma_wait3A_372 = arith.constant 0 : i32
      %dma_wait3A_373 = tpu.memref_slice %arg6[%add3A_179, %dma_wait3A_372] : memref<104x128xi32, #tpu.memory_space<vmem>> -> memref<1x128xi32, #tpu.memory_space<vmem>>
      %dma_wait3A_374 = tpu.memref_squeeze %dma_wait3A_373 : memref<1x128xi32, #tpu.memory_space<vmem>> -> memref<128xi32, #tpu.memory_space<vmem>>
      %dma_wait3A_375 = arith.constant 0 : i32
      %dma_wait3A_376 = tpu.memref_slice %arg2[%dma_wait3A_375] : memref<800000xf32, #tpu.memory_space<hbm>> -> memref<800000xf32, #tpu.memory_space<hbm>>
      tpu.wait_indirect_dma semaphore(%arg10 : memref<!tpu.dma_semaphore, #tpu.memory_space<semaphore_mem>>) src(%dma_wait3A_376 : memref<800000xf32, #tpu.memory_space<hbm>>) dst(%dma_wait3A_371 : memref<128xf32, #tpu.memory_space<vmem>>)
      %dma_wait3A_377 = tpu.memref_slice %arg9[%mul3A_189] : memref<13312xf32, #tpu.memory_space<vmem>> -> memref<128xf32, #tpu.memory_space<vmem>>
      %dma_wait3A_378 = arith.constant 0 : i32
      %dma_wait3A_379 = tpu.memref_slice %arg7[%add3A_179, %dma_wait3A_378] : memref<104x128xi32, #tpu.memory_space<vmem>> -> memref<1x128xi32, #tpu.memory_space<vmem>>
      %dma_wait3A_380 = tpu.memref_squeeze %dma_wait3A_379 : memref<1x128xi32, #tpu.memory_space<vmem>> -> memref<128xi32, #tpu.memory_space<vmem>>
      %dma_wait3A_381 = arith.constant 0 : i32
      %dma_wait3A_382 = tpu.memref_slice %arg2[%dma_wait3A_381] : memref<800000xf32, #tpu.memory_space<hbm>> -> memref<800000xf32, #tpu.memory_space<hbm>>
      tpu.wait_indirect_dma semaphore(%arg10 : memref<!tpu.dma_semaphore, #tpu.memory_space<semaphore_mem>>) src(%dma_wait3A_382 : memref<800000xf32, #tpu.memory_space<hbm>>) dst(%dma_wait3A_377 : memref<128xf32, #tpu.memory_space<vmem>>)
      %dma_wait3A_383 = tpu.memref_slice %arg8[%mul3A_201] : memref<13312xf32, #tpu.memory_space<vmem>> -> memref<128xf32, #tpu.memory_space<vmem>>
      %dma_wait3A_384 = arith.constant 0 : i32
      %dma_wait3A_385 = tpu.memref_slice %arg6[%add3A_199, %dma_wait3A_384] : memref<104x128xi32, #tpu.memory_space<vmem>> -> memref<1x128xi32, #tpu.memory_space<vmem>>
      %dma_wait3A_386 = tpu.memref_squeeze %dma_wait3A_385 : memref<1x128xi32, #tpu.memory_space<vmem>> -> memref<128xi32, #tpu.memory_space<vmem>>
      %dma_wait3A_387 = arith.constant 0 : i32
      %dma_wait3A_388 = tpu.memref_slice %arg2[%dma_wait3A_387] : memref<800000xf32, #tpu.memory_space<hbm>> -> memref<800000xf32, #tpu.memory_space<hbm>>
      tpu.wait_indirect_dma semaphore(%arg10 : memref<!tpu.dma_semaphore, #tpu.memory_space<semaphore_mem>>) src(%dma_wait3A_388 : memref<800000xf32, #tpu.memory_space<hbm>>) dst(%dma_wait3A_383 : memref<128xf32, #tpu.memory_space<vmem>>)
      %dma_wait3A_389 = tpu.memref_slice %arg9[%mul3A_209] : memref<13312xf32, #tpu.memory_space<vmem>> -> memref<128xf32, #tpu.memory_space<vmem>>
      %dma_wait3A_390 = arith.constant 0 : i32
      %dma_wait3A_391 = tpu.memref_slice %arg7[%add3A_199, %dma_wait3A_390] : memref<104x128xi32, #tpu.memory_space<vmem>> -> memref<1x128xi32, #tpu.memory_space<vmem>>
      %dma_wait3A_392 = tpu.memref_squeeze %dma_wait3A_391 : memref<1x128xi32, #tpu.memory_space<vmem>> -> memref<128xi32, #tpu.memory_space<vmem>>
      %dma_wait3A_393 = arith.constant 0 : i32
      %dma_wait3A_394 = tpu.memref_slice %arg2[%dma_wait3A_393] : memref<800000xf32, #tpu.memory_space<hbm>> -> memref<800000xf32, #tpu.memory_space<hbm>>
      tpu.wait_indirect_dma semaphore(%arg10 : memref<!tpu.dma_semaphore, #tpu.memory_space<semaphore_mem>>) src(%dma_wait3A_394 : memref<800000xf32, #tpu.memory_space<hbm>>) dst(%dma_wait3A_389 : memref<128xf32, #tpu.memory_space<vmem>>)
      %dma_wait3A_395 = tpu.memref_slice %arg8[%mul3A_221] : memref<13312xf32, #tpu.memory_space<vmem>> -> memref<128xf32, #tpu.memory_space<vmem>>
      %dma_wait3A_396 = arith.constant 0 : i32
      %dma_wait3A_397 = tpu.memref_slice %arg6[%add3A_219, %dma_wait3A_396] : memref<104x128xi32, #tpu.memory_space<vmem>> -> memref<1x128xi32, #tpu.memory_space<vmem>>
      %dma_wait3A_398 = tpu.memref_squeeze %dma_wait3A_397 : memref<1x128xi32, #tpu.memory_space<vmem>> -> memref<128xi32, #tpu.memory_space<vmem>>
      %dma_wait3A_399 = arith.constant 0 : i32
      %dma_wait3A_400 = tpu.memref_slice %arg2[%dma_wait3A_399] : memref<800000xf32, #tpu.memory_space<hbm>> -> memref<800000xf32, #tpu.memory_space<hbm>>
      tpu.wait_indirect_dma semaphore(%arg10 : memref<!tpu.dma_semaphore, #tpu.memory_space<semaphore_mem>>) src(%dma_wait3A_400 : memref<800000xf32, #tpu.memory_space<hbm>>) dst(%dma_wait3A_395 : memref<128xf32, #tpu.memory_space<vmem>>)
      %dma_wait3A_401 = tpu.memref_slice %arg9[%mul3A_229] : memref<13312xf32, #tpu.memory_space<vmem>> -> memref<128xf32, #tpu.memory_space<vmem>>
      %dma_wait3A_402 = arith.constant 0 : i32
      %dma_wait3A_403 = tpu.memref_slice %arg7[%add3A_219, %dma_wait3A_402] : memref<104x128xi32, #tpu.memory_space<vmem>> -> memref<1x128xi32, #tpu.memory_space<vmem>>
      %dma_wait3A_404 = tpu.memref_squeeze %dma_wait3A_403 : memref<1x128xi32, #tpu.memory_space<vmem>> -> memref<128xi32, #tpu.memory_space<vmem>>
      %dma_wait3A_405 = arith.constant 0 : i32
      %dma_wait3A_406 = tpu.memref_slice %arg2[%dma_wait3A_405] : memref<800000xf32, #tpu.memory_space<hbm>> -> memref<800000xf32, #tpu.memory_space<hbm>>
      tpu.wait_indirect_dma semaphore(%arg10 : memref<!tpu.dma_semaphore, #tpu.memory_space<semaphore_mem>>) src(%dma_wait3A_406 : memref<800000xf32, #tpu.memory_space<hbm>>) dst(%dma_wait3A_401 : memref<128xf32, #tpu.memory_space<vmem>>)
      %dma_wait3A_407 = tpu.memref_slice %arg8[%mul3A_241] : memref<13312xf32, #tpu.memory_space<vmem>> -> memref<128xf32, #tpu.memory_space<vmem>>
      %dma_wait3A_408 = arith.constant 0 : i32
      %dma_wait3A_409 = tpu.memref_slice %arg6[%add3A_239, %dma_wait3A_408] : memref<104x128xi32, #tpu.memory_space<vmem>> -> memref<1x128xi32, #tpu.memory_space<vmem>>
      %dma_wait3A_410 = tpu.memref_squeeze %dma_wait3A_409 : memref<1x128xi32, #tpu.memory_space<vmem>> -> memref<128xi32, #tpu.memory_space<vmem>>
      %dma_wait3A_411 = arith.constant 0 : i32
      %dma_wait3A_412 = tpu.memref_slice %arg2[%dma_wait3A_411] : memref<800000xf32, #tpu.memory_space<hbm>> -> memref<800000xf32, #tpu.memory_space<hbm>>
      tpu.wait_indirect_dma semaphore(%arg10 : memref<!tpu.dma_semaphore, #tpu.memory_space<semaphore_mem>>) src(%dma_wait3A_412 : memref<800000xf32, #tpu.memory_space<hbm>>) dst(%dma_wait3A_407 : memref<128xf32, #tpu.memory_space<vmem>>)
      %dma_wait3A_413 = tpu.memref_slice %arg9[%mul3A_249] : memref<13312xf32, #tpu.memory_space<vmem>> -> memref<128xf32, #tpu.memory_space<vmem>>
      %dma_wait3A_414 = arith.constant 0 : i32
      %dma_wait3A_415 = tpu.memref_slice %arg7[%add3A_239, %dma_wait3A_414] : memref<104x128xi32, #tpu.memory_space<vmem>> -> memref<1x128xi32, #tpu.memory_space<vmem>>
      %dma_wait3A_416 = tpu.memref_squeeze %dma_wait3A_415 : memref<1x128xi32, #tpu.memory_space<vmem>> -> memref<128xi32, #tpu.memory_space<vmem>>
      %dma_wait3A_417 = arith.constant 0 : i32
      %dma_wait3A_418 = tpu.memref_slice %arg2[%dma_wait3A_417] : memref<800000xf32, #tpu.memory_space<hbm>> -> memref<800000xf32, #tpu.memory_space<hbm>>
      tpu.wait_indirect_dma semaphore(%arg10 : memref<!tpu.dma_semaphore, #tpu.memory_space<semaphore_mem>>) src(%dma_wait3A_418 : memref<800000xf32, #tpu.memory_space<hbm>>) dst(%dma_wait3A_413 : memref<128xf32, #tpu.memory_space<vmem>>)
      %dma_wait3A_419 = tpu.memref_slice %arg8[%mul3A_261] : memref<13312xf32, #tpu.memory_space<vmem>> -> memref<128xf32, #tpu.memory_space<vmem>>
      %dma_wait3A_420 = arith.constant 0 : i32
      %dma_wait3A_421 = tpu.memref_slice %arg6[%add3A_259, %dma_wait3A_420] : memref<104x128xi32, #tpu.memory_space<vmem>> -> memref<1x128xi32, #tpu.memory_space<vmem>>
      %dma_wait3A_422 = tpu.memref_squeeze %dma_wait3A_421 : memref<1x128xi32, #tpu.memory_space<vmem>> -> memref<128xi32, #tpu.memory_space<vmem>>
      %dma_wait3A_423 = arith.constant 0 : i32
      %dma_wait3A_424 = tpu.memref_slice %arg2[%dma_wait3A_423] : memref<800000xf32, #tpu.memory_space<hbm>> -> memref<800000xf32, #tpu.memory_space<hbm>>
      tpu.wait_indirect_dma semaphore(%arg10 : memref<!tpu.dma_semaphore, #tpu.memory_space<semaphore_mem>>) src(%dma_wait3A_424 : memref<800000xf32, #tpu.memory_space<hbm>>) dst(%dma_wait3A_419 : memref<128xf32, #tpu.memory_space<vmem>>)
      %dma_wait3A_425 = tpu.memref_slice %arg9[%mul3A_269] : memref<13312xf32, #tpu.memory_space<vmem>> -> memref<128xf32, #tpu.memory_space<vmem>>
      %dma_wait3A_426 = arith.constant 0 : i32
      %dma_wait3A_427 = tpu.memref_slice %arg7[%add3A_259, %dma_wait3A_426] : memref<104x128xi32, #tpu.memory_space<vmem>> -> memref<1x128xi32, #tpu.memory_space<vmem>>
      %dma_wait3A_428 = tpu.memref_squeeze %dma_wait3A_427 : memref<1x128xi32, #tpu.memory_space<vmem>> -> memref<128xi32, #tpu.memory_space<vmem>>
      %dma_wait3A_429 = arith.constant 0 : i32
      %dma_wait3A_430 = tpu.memref_slice %arg2[%dma_wait3A_429] : memref<800000xf32, #tpu.memory_space<hbm>> -> memref<800000xf32, #tpu.memory_space<hbm>>
      tpu.wait_indirect_dma semaphore(%arg10 : memref<!tpu.dma_semaphore, #tpu.memory_space<semaphore_mem>>) src(%dma_wait3A_430 : memref<800000xf32, #tpu.memory_space<hbm>>) dst(%dma_wait3A_425 : memref<128xf32, #tpu.memory_space<vmem>>)
    }
    %scan3A_11 = arith.constant 8 : i32
    "tpu.region"() ({
      %run_scoped3A_12 = tpu.sem_alloc : memref<!tpu.dma_semaphore, #tpu.memory_space<semaphore_mem>>
      %dma_start3A = tpu.memref_slice %arg4[%mul3A_2] : memref<425984xf32, #tpu.memory_space<hbm>> -> memref<13312xf32, #tpu.memory_space<hbm>>
      %dma_start3A_13 = tpu.memref_slice %arg4[%mul3A_2] : memref<425984xf32, #tpu.memory_space<hbm>> -> memref<13312xf32, #tpu.memory_space<hbm>>
      tpu.enqueue_dma source(%arg8 : memref<13312xf32, #tpu.memory_space<vmem>>) target(%dma_start3A_13 : memref<13312xf32, #tpu.memory_space<hbm>>) target_semaphore(%run_scoped3A_12 : memref<!tpu.dma_semaphore, #tpu.memory_space<semaphore_mem>>)
      %dma_wait3A = tpu.memref_slice %arg4[%mul3A_2] : memref<425984xf32, #tpu.memory_space<hbm>> -> memref<13312xf32, #tpu.memory_space<hbm>>
      %dma_wait3A_14 = tpu.memref_slice %arg4[%mul3A_2] : memref<425984xf32, #tpu.memory_space<hbm>> -> memref<13312xf32, #tpu.memory_space<hbm>>
      tpu.wait_dma2 semaphore(%run_scoped3A_12 : memref<!tpu.dma_semaphore, #tpu.memory_space<semaphore_mem>>) src(%arg8 : memref<13312xf32, #tpu.memory_space<vmem>>) dst(%dma_wait3A_14 : memref<13312xf32, #tpu.memory_space<hbm>>)
      tpu.yield
    }) : () -> ()
    "tpu.region"() ({
      %run_scoped3A_12 = tpu.sem_alloc : memref<!tpu.dma_semaphore, #tpu.memory_space<semaphore_mem>>
      %dma_start3A = tpu.memref_slice %arg5[%mul3A_2] : memref<425984xf32, #tpu.memory_space<hbm>> -> memref<13312xf32, #tpu.memory_space<hbm>>
      %dma_start3A_13 = tpu.memref_slice %arg5[%mul3A_2] : memref<425984xf32, #tpu.memory_space<hbm>> -> memref<13312xf32, #tpu.memory_space<hbm>>
      tpu.enqueue_dma source(%arg9 : memref<13312xf32, #tpu.memory_space<vmem>>) target(%dma_start3A_13 : memref<13312xf32, #tpu.memory_space<hbm>>) target_semaphore(%run_scoped3A_12 : memref<!tpu.dma_semaphore, #tpu.memory_space<semaphore_mem>>)
      %dma_wait3A = tpu.memref_slice %arg5[%mul3A_2] : memref<425984xf32, #tpu.memory_space<hbm>> -> memref<13312xf32, #tpu.memory_space<hbm>>
      %dma_wait3A_14 = tpu.memref_slice %arg5[%mul3A_2] : memref<425984xf32, #tpu.memory_space<hbm>> -> memref<13312xf32, #tpu.memory_space<hbm>>
      tpu.wait_dma2 semaphore(%run_scoped3A_12 : memref<!tpu.dma_semaphore, #tpu.memory_space<semaphore_mem>>) src(%arg9 : memref<13312xf32, #tpu.memory_space<vmem>>) dst(%dma_wait3A_14 : memref<13312xf32, #tpu.memory_space<hbm>>)
      tpu.yield
    }) : () -> ()
    return
  }
}

module attributes {stable_mosaic.version = 14 : i64} {
  func.func @_centers_body(%arg0: memref<12500x64xf32, #tpu.memory_space<vmem>>, %arg1: memref<12500x32xf32, #tpu.memory_space<vmem>>, %arg2: memref<12500x2xf32, #tpu.memory_space<vmem>>) attributes {dimension_semantics = [], scalar_prefetch = 0 : i64, scratch_operands = 0 : i64, tpu.core_type = #tpu.core_type<tc>} {
    %get3A = arith.constant 0 : index
    %get3A_0 = arith.constant 0 : index
    %get3A_1 = vector.load %arg0[%get3A, %get3A_0] : memref<12500x64xf32, #tpu.memory_space<vmem>>, vector<12500x64xf32>
    %get3A_2 = arith.constant 0 : index
    %get3A_3 = arith.constant 0 : index
    %get3A_4 = vector.load %arg1[%get3A_2, %get3A_3] : memref<12500x32xf32, #tpu.memory_space<vmem>>, vector<12500x32xf32>
    %iota3A = tpu.iota {dimensions = array<i32: 0>} : vector<64x2xi32>
    %iota3A_5 = tpu.iota {dimensions = array<i32: 1>} : vector<64x2xi32>
    %jit3A = arith.constant 2 : i32
    %eq3A = arith.constant 0 : i32
    %eq3A_6 = arith.cmpi eq, %jit3A, %eq3A : i32
    %jit3A_7 = arith.constant 1 : i32
    %select_n3A = arith.select %eq3A_6, %jit3A_7, %jit3A : i32
    %rem3A = vector.broadcast %select_n3A : i32 to vector<64x2xi32>
    %rem3A_8 = arith.remsi %iota3A, %rem3A : vector<64x2xi32>
    %ne3A = arith.constant 0 : i32
    %ne3A_9 = vector.broadcast %ne3A : i32 to vector<64x2xi32>
    %ne3A_10 = arith.cmpi ne, %rem3A_8, %ne3A_9 : vector<64x2xi32>
    %lt3A = arith.constant 0 : i32
    %lt3A_11 = vector.broadcast %lt3A : i32 to vector<64x2xi32>
    %lt3A_12 = arith.cmpi slt, %rem3A_8, %lt3A_11 : vector<64x2xi32>
    %lt3A_13 = arith.constant 0 : i32
    %lt3A_14 = arith.cmpi slt, %select_n3A, %lt3A_13 : i32
    %ne3A_15 = vector.broadcast %lt3A_14 : i1 to vector<64x2xi1>
    %ne3A_16 = vector.broadcast %ne3A_15 : vector<64x2xi1> to vector<64x2xi1>
    %ne3A_17 = arith.xori %lt3A_12, %ne3A_16 : vector<64x2xi1>
    %and3A = arith.andi %ne3A_17, %ne3A_10 : vector<64x2xi1>
    %add3A = vector.broadcast %select_n3A : i32 to vector<64x2xi32>
    %add3A_18 = arith.addi %rem3A_8, %add3A : vector<64x2xi32>
    %select_n3A_19 = arith.select %and3A, %add3A_18, %rem3A_8 : vector<64x2xi1>, vector<64x2xi32>
    %eq3A_20 = arith.cmpi eq, %select_n3A_19, %iota3A_5 : vector<64x2xi32>
    %convert_element_type3A = arith.extui %eq3A_20 : vector<64x2xi1> to vector<64x2xi32>
    %convert_element_type3A_21 = arith.sitofp %convert_element_type3A : vector<64x2xi32> to vector<64x2xf32>
    %dot_general3A = arith.constant dense<0.000000e+00> : vector<12500x2xf32>
    %dot_general3A_22 = tpu.matmul %get3A_1, %convert_element_type3A_21, %dot_general3A {dimension_numbers = #tpu.dot_dimension_numbers<[1], [0], [0], [1], [0, 0, 1, 1], [], []>, precision = #tpu.contract_precision<fp32>, transpose_lhs_hint = false} : vector<12500x64xf32>, vector<64x2xf32>, vector<12500x2xf32> -> vector<12500x2xf32>
    %reduce_sum3A = arith.constant dense<0.000000e+00> : vector<12500xf32>
    %reduce_sum3A_23 = vector.multi_reduction <add>, %get3A_4, %reduce_sum3A [1] : vector<12500x32xf32> to vector<12500xf32>
    %broadcast_in_dim3A = vector.shape_cast %reduce_sum3A_23 : vector<12500xf32> to vector<12500x1xf32>
    %add3A_24 = arith.constant 9.99999993E-9 : f32
    %add3A_25 = vector.broadcast %add3A_24 : f32 to vector<12500x1xf32>
    %add3A_26 = arith.addf %broadcast_in_dim3A, %add3A_25 : vector<12500x1xf32>
    %div3A = vector.broadcast %add3A_26 : vector<12500x1xf32> to vector<12500x2xf32>
    %div3A_27 = arith.divf %dot_general3A_22, %div3A : vector<12500x2xf32>
    %swap3A = arith.constant 0 : index
    %swap3A_28 = arith.constant 0 : index
    %swap3A_29 = vector.load %arg2[%swap3A, %swap3A_28] : memref<12500x2xf32, #tpu.memory_space<vmem>>, vector<12500x2xf32>
    tpu.vector_store %arg2[%swap3A, %swap3A_28], %div3A_27 {strides = array<i32>} : memref<12500x2xf32, #tpu.memory_space<vmem>>, vector<12500x2xf32>,
    return
  }
}

module attributes {stable_mosaic.version = 14 : i64} {
  func.func @_pe_body(%arg0: i32, %arg1: memref<4000x2xf32, #tpu.memory_space<vmem>>, %arg2: memref<4000x2xf32, #tpu.memory_space<vmem>>, %arg3: memref<4000x32xf32, #tpu.memory_space<vmem>>) attributes {dimension_semantics = [#tpu.dimension_semantics<arbitrary>], iteration_bounds = array<i64: 100>, scalar_prefetch = 0 : i64, scratch_operands = 0 : i64, tpu.core_type = #tpu.core_type<tc>, window_params = [{transform_indices = @transform_0, window_bounds = array<i64: 4000, 2>}, {transform_indices = @transform_1, window_bounds = array<i64: 4000, 2>}, {transform_indices = @transform_2, window_bounds = array<i64: 4000, 32>}]} {
    %get3A = arith.constant 0 : index
    %get3A_0 = arith.constant 0 : index
    %get3A_1 = vector.load %arg1[%get3A, %get3A_0] : memref<4000x2xf32, #tpu.memory_space<vmem>>, vector<4000x2xf32>
    %get3A_2 = arith.constant 0 : index
    %get3A_3 = arith.constant 0 : index
    %get3A_4 = vector.load %arg2[%get3A_2, %get3A_3] : memref<4000x2xf32, #tpu.memory_space<vmem>>, vector<4000x2xf32>
    %sub3A = arith.subf %get3A_1, %get3A_4 : vector<4000x2xf32>
    %slice3A = vector.extract_strided_slice %sub3A {offsets = [0, 0], sizes = [4000, 1], strides = [1, 1]} : vector<4000x2xf32> to vector<4000x1xf32>
    %broadcast_in_dim3A = vector.shape_cast %slice3A : vector<4000x1xf32> to vector<4000x1xf32>
    %broadcast_in_dim3A_5 = vector.broadcast %broadcast_in_dim3A : vector<4000x1xf32> to vector<4000x16xf32>
    %slice3A_6 = vector.extract_strided_slice %sub3A {offsets = [0, 1], sizes = [4000, 1], strides = [1, 1]} : vector<4000x2xf32> to vector<4000x1xf32>
    %broadcast_in_dim3A_7 = vector.shape_cast %slice3A_6 : vector<4000x1xf32> to vector<4000x1xf32>
    %broadcast_in_dim3A_8 = vector.broadcast %broadcast_in_dim3A_7 : vector<4000x1xf32> to vector<4000x16xf32>
    %concatenate3A = tpu.concatenate %broadcast_in_dim3A_5, %broadcast_in_dim3A_8 in 1 : vector<4000x16xf32>, vector<4000x16xf32> -> vector<4000x32xf32>
    %iota3A = tpu.iota {dimensions = array<i32: 1>} : vector<4000x32xi32>
    %jit3A = arith.constant 8 : i32
    %eq3A = arith.constant 0 : i32
    %eq3A_9 = arith.cmpi eq, %jit3A, %eq3A : i32
    %jit3A_10 = arith.constant 1 : i32
    %select_n3A = arith.select %eq3A_9, %jit3A_10, %jit3A : i32
    %rem3A = vector.broadcast %select_n3A : i32 to vector<4000x32xi32>
    %rem3A_11 = arith.remsi %iota3A, %rem3A : vector<4000x32xi32>
    %ne3A = arith.constant 0 : i32
    %ne3A_12 = vector.broadcast %ne3A : i32 to vector<4000x32xi32>
    %ne3A_13 = arith.cmpi ne, %rem3A_11, %ne3A_12 : vector<4000x32xi32>
    %lt3A = arith.constant 0 : i32
    %lt3A_14 = vector.broadcast %lt3A : i32 to vector<4000x32xi32>
    %lt3A_15 = arith.cmpi slt, %rem3A_11, %lt3A_14 : vector<4000x32xi32>
    %lt3A_16 = arith.constant 0 : i32
    %lt3A_17 = arith.cmpi slt, %select_n3A, %lt3A_16 : i32
    %ne3A_18 = vector.broadcast %lt3A_17 : i1 to vector<4000x32xi1>
    %ne3A_19 = vector.broadcast %ne3A_18 : vector<4000x32xi1> to vector<4000x32xi1>
    %ne3A_20 = arith.xori %lt3A_15, %ne3A_19 : vector<4000x32xi1>
    %and3A = arith.andi %ne3A_20, %ne3A_13 : vector<4000x32xi1>
    %add3A = vector.broadcast %select_n3A : i32 to vector<4000x32xi32>
    %add3A_21 = arith.addi %rem3A_11, %add3A : vector<4000x32xi32>
    %select_n3A_22 = arith.select %and3A, %add3A_21, %rem3A_11 : vector<4000x32xi1>, vector<4000x32xi32>
    %shift_left3A = arith.constant 1 : i32
    %shift_left3A_23 = vector.broadcast %shift_left3A : i32 to vector<4000x32xi32>
    %shift_left3A_24 = arith.shli %shift_left3A_23, %select_n3A_22 : vector<4000x32xi32>
    %convert_element_type3A = arith.sitofp %shift_left3A_24 : vector<4000x32xi32> to vector<4000x32xf32>
    %mul3A = arith.constant 3.14159274 : f32
    %mul3A_25 = vector.broadcast %mul3A : f32 to vector<4000x32xf32>
    %mul3A_26 = arith.mulf %convert_element_type3A, %mul3A_25 : vector<4000x32xf32>
    %jit3A_27 = arith.constant 16 : i32
    %eq3A_28 = arith.constant 0 : i32
    %eq3A_29 = arith.cmpi eq, %jit3A_27, %eq3A_28 : i32
    %jit3A_30 = arith.constant 1 : i32
    %select_n3A_31 = arith.select %eq3A_29, %jit3A_30, %jit3A_27 : i32
    %rem3A_32 = vector.broadcast %select_n3A_31 : i32 to vector<4000x32xi32>
    %rem3A_33 = arith.remsi %iota3A, %rem3A_32 : vector<4000x32xi32>
    %ne3A_34 = arith.constant 0 : i32
    %ne3A_35 = vector.broadcast %ne3A_34 : i32 to vector<4000x32xi32>
    %ne3A_36 = arith.cmpi ne, %rem3A_33, %ne3A_35 : vector<4000x32xi32>
    %lt3A_37 = arith.constant 0 : i32
    %lt3A_38 = vector.broadcast %lt3A_37 : i32 to vector<4000x32xi32>
    %lt3A_39 = arith.cmpi slt, %rem3A_33, %lt3A_38 : vector<4000x32xi32>
    %lt3A_40 = arith.constant 0 : i32
    %lt3A_41 = arith.cmpi slt, %select_n3A_31, %lt3A_40 : i32
    %ne3A_42 = vector.broadcast %lt3A_41 : i1 to vector<4000x32xi1>
    %ne3A_43 = vector.broadcast %ne3A_42 : vector<4000x32xi1> to vector<4000x32xi1>
    %ne3A_44 = arith.xori %lt3A_39, %ne3A_43 : vector<4000x32xi1>
    %and3A_45 = arith.andi %ne3A_44, %ne3A_36 : vector<4000x32xi1>
    %add3A_46 = vector.broadcast %select_n3A_31 : i32 to vector<4000x32xi32>
    %add3A_47 = arith.addi %rem3A_33, %add3A_46 : vector<4000x32xi32>
    %select_n3A_48 = arith.select %and3A_45, %add3A_47, %rem3A_33 : vector<4000x32xi1>, vector<4000x32xi32>
    %ge3A = arith.constant 8 : i32
    %ge3A_49 = vector.broadcast %ge3A : i32 to vector<4000x32xi32>
    %ge3A_50 = arith.cmpi sge, %select_n3A_48, %ge3A_49 : vector<4000x32xi32>
    %jit3A_51 = arith.constant 1.57079637 : f32
    %jit3A_52 = arith.constant 0.000000e+00 : f32
    %broadcast_in_dim3A_53 = vector.broadcast %jit3A_51 : f32 to vector<4000x32xf32>
    %broadcast_in_dim3A_54 = vector.broadcast %jit3A_52 : f32 to vector<4000x32xf32>
    %select_n3A_55 = arith.select %ge3A_50, %broadcast_in_dim3A_53, %broadcast_in_dim3A_54 : vector<4000x32xi1>, vector<4000x32xf32>
    %mul3A_56 = arith.mulf %concatenate3A, %mul3A_26 : vector<4000x32xf32>
    %sub3A_57 = arith.subf %mul3A_56, %select_n3A_55 : vector<4000x32xf32>
    %cos3A = math.cos %sub3A_57 : vector<4000x32xf32>
    %swap3A = arith.constant 0 : index
    %swap3A_58 = arith.constant 0 : index
    %swap3A_59 = vector.load %arg3[%swap3A, %swap3A_58] : memref<4000x32xf32, #tpu.memory_space<vmem>>, vector<4000x32xf32>
    tpu.vector_store %arg3[%swap3A, %swap3A_58], %cos3A {strides = array<i32>} : memref<4000x32xf32, #tpu.memory_space<vmem>>, vector<4000x32xf32>,
    return
  }
  func.func @transform_0(%arg0: i32) -> (i32, i32) {
    %c0_i32 = arith.constant 0 : i32
    %c0_i32_0 = arith.constant 0 : i32
    return %arg0, %c0_i32 : i32, i32
  }
  func.func @transform_1(%arg0: i32) -> (i32, i32) {
    %c0_i32 = arith.constant 0 : i32
    %c0_i32_0 = arith.constant 0 : i32
    return %arg0, %c0_i32 : i32, i32
  }
  func.func @transform_2(%arg0: i32) -> (i32, i32) {
    %c0_i32 = arith.constant 0 : i32
    %c0_i32_0 = arith.constant 0 : i32
    return %arg0, %c0_i32 : i32, i32
  }
}

module attributes {stable_mosaic.version = 14 : i64} {
  func.func @_out1_body(%arg0: i32, %arg1: memref<4000x2xf32, #tpu.memory_space<vmem>>, %arg2: memref<4000x32xf32, #tpu.memory_space<vmem>>, %arg3: memref<4000x64xf32, #tpu.memory_space<vmem>>) attributes {dimension_semantics = [#tpu.dimension_semantics<arbitrary>], iteration_bounds = array<i64: 100>, scalar_prefetch = 0 : i64, scratch_operands = 0 : i64, tpu.core_type = #tpu.core_type<tc>, window_params = [{transform_indices = @transform_0, window_bounds = array<i64: 4000, 2>}, {transform_indices = @transform_1, window_bounds = array<i64: 4000, 32>}, {transform_indices = @transform_2, window_bounds = array<i64: 4000, 64>}]} {
    %get3A = arith.constant 0 : index
    %get3A_0 = arith.constant 0 : index
    %get3A_1 = vector.load %arg1[%get3A, %get3A_0] : memref<4000x2xf32, #tpu.memory_space<vmem>>, vector<4000x2xf32>
    %slice3A = vector.extract_strided_slice %get3A_1 {offsets = [0, 0], sizes = [4000, 1], strides = [1, 1]} : vector<4000x2xf32> to vector<4000x1xf32>
    %broadcast_in_dim3A = vector.shape_cast %slice3A : vector<4000x1xf32> to vector<4000x1xf32>
    %broadcast_in_dim3A_2 = vector.broadcast %broadcast_in_dim3A : vector<4000x1xf32> to vector<4000x16xf32>
    %slice3A_3 = vector.extract_strided_slice %get3A_1 {offsets = [0, 1], sizes = [4000, 1], strides = [1, 1]} : vector<4000x2xf32> to vector<4000x1xf32>
    %broadcast_in_dim3A_4 = vector.shape_cast %slice3A_3 : vector<4000x1xf32> to vector<4000x1xf32>
    %broadcast_in_dim3A_5 = vector.broadcast %broadcast_in_dim3A_4 : vector<4000x1xf32> to vector<4000x16xf32>
    %concatenate3A = tpu.concatenate %broadcast_in_dim3A_2, %broadcast_in_dim3A_5 in 1 : vector<4000x16xf32>, vector<4000x16xf32> -> vector<4000x32xf32>
    %iota3A = tpu.iota {dimensions = array<i32: 1>} : vector<4000x32xi32>
    %jit3A = arith.constant 8 : i32
    %eq3A = arith.constant 0 : i32
    %eq3A_6 = arith.cmpi eq, %jit3A, %eq3A : i32
    %jit3A_7 = arith.constant 1 : i32
    %select_n3A = arith.select %eq3A_6, %jit3A_7, %jit3A : i32
    %rem3A = vector.broadcast %select_n3A : i32 to vector<4000x32xi32>
    %rem3A_8 = arith.remsi %iota3A, %rem3A : vector<4000x32xi32>
    %ne3A = arith.constant 0 : i32
    %ne3A_9 = vector.broadcast %ne3A : i32 to vector<4000x32xi32>
    %ne3A_10 = arith.cmpi ne, %rem3A_8, %ne3A_9 : vector<4000x32xi32>
    %lt3A = arith.constant 0 : i32
    %lt3A_11 = vector.broadcast %lt3A : i32 to vector<4000x32xi32>
    %lt3A_12 = arith.cmpi slt, %rem3A_8, %lt3A_11 : vector<4000x32xi32>
    %lt3A_13 = arith.constant 0 : i32
    %lt3A_14 = arith.cmpi slt, %select_n3A, %lt3A_13 : i32
    %ne3A_15 = vector.broadcast %lt3A_14 : i1 to vector<4000x32xi1>
    %ne3A_16 = vector.broadcast %ne3A_15 : vector<4000x32xi1> to vector<4000x32xi1>
    %ne3A_17 = arith.xori %lt3A_12, %ne3A_16 : vector<4000x32xi1>
    %and3A = arith.andi %ne3A_17, %ne3A_10 : vector<4000x32xi1>
    %add3A = vector.broadcast %select_n3A : i32 to vector<4000x32xi32>
    %add3A_18 = arith.addi %rem3A_8, %add3A : vector<4000x32xi32>
    %select_n3A_19 = arith.select %and3A, %add3A_18, %rem3A_8 : vector<4000x32xi1>, vector<4000x32xi32>
    %shift_left3A = arith.constant 1 : i32
    %shift_left3A_20 = vector.broadcast %shift_left3A : i32 to vector<4000x32xi32>
    %shift_left3A_21 = arith.shli %shift_left3A_20, %select_n3A_19 : vector<4000x32xi32>
    %convert_element_type3A = arith.sitofp %shift_left3A_21 : vector<4000x32xi32> to vector<4000x32xf32>
    %mul3A = arith.constant 3.14159274 : f32
    %mul3A_22 = vector.broadcast %mul3A : f32 to vector<4000x32xf32>
    %mul3A_23 = arith.mulf %convert_element_type3A, %mul3A_22 : vector<4000x32xf32>
    %jit3A_24 = arith.constant 16 : i32
    %eq3A_25 = arith.constant 0 : i32
    %eq3A_26 = arith.cmpi eq, %jit3A_24, %eq3A_25 : i32
    %jit3A_27 = arith.constant 1 : i32
    %select_n3A_28 = arith.select %eq3A_26, %jit3A_27, %jit3A_24 : i32
    %rem3A_29 = vector.broadcast %select_n3A_28 : i32 to vector<4000x32xi32>
    %rem3A_30 = arith.remsi %iota3A, %rem3A_29 : vector<4000x32xi32>
    %ne3A_31 = arith.constant 0 : i32
    %ne3A_32 = vector.broadcast %ne3A_31 : i32 to vector<4000x32xi32>
    %ne3A_33 = arith.cmpi ne, %rem3A_30, %ne3A_32 : vector<4000x32xi32>
    %lt3A_34 = arith.constant 0 : i32
    %lt3A_35 = vector.broadcast %lt3A_34 : i32 to vector<4000x32xi32>
    %lt3A_36 = arith.cmpi slt, %rem3A_30, %lt3A_35 : vector<4000x32xi32>
    %lt3A_37 = arith.constant 0 : i32
    %lt3A_38 = arith.cmpi slt, %select_n3A_28, %lt3A_37 : i32
    %ne3A_39 = vector.broadcast %lt3A_38 : i1 to vector<4000x32xi1>
    %ne3A_40 = vector.broadcast %ne3A_39 : vector<4000x32xi1> to vector<4000x32xi1>
    %ne3A_41 = arith.xori %lt3A_36, %ne3A_40 : vector<4000x32xi1>
    %and3A_42 = arith.andi %ne3A_41, %ne3A_33 : vector<4000x32xi1>
    %add3A_43 = vector.broadcast %select_n3A_28 : i32 to vector<4000x32xi32>
    %add3A_44 = arith.addi %rem3A_30, %add3A_43 : vector<4000x32xi32>
    %select_n3A_45 = arith.select %and3A_42, %add3A_44, %rem3A_30 : vector<4000x32xi1>, vector<4000x32xi32>
    %ge3A = arith.constant 8 : i32
    %ge3A_46 = vector.broadcast %ge3A : i32 to vector<4000x32xi32>
    %ge3A_47 = arith.cmpi sge, %select_n3A_45, %ge3A_46 : vector<4000x32xi32>
    %jit3A_48 = arith.constant 1.57079637 : f32
    %jit3A_49 = arith.constant 0.000000e+00 : f32
    %broadcast_in_dim3A_50 = vector.broadcast %jit3A_48 : f32 to vector<4000x32xf32>
    %broadcast_in_dim3A_51 = vector.broadcast %jit3A_49 : f32 to vector<4000x32xf32>
    %select_n3A_52 = arith.select %ge3A_47, %broadcast_in_dim3A_50, %broadcast_in_dim3A_51 : vector<4000x32xi1>, vector<4000x32xf32>
    %mul3A_53 = arith.mulf %concatenate3A, %mul3A_23 : vector<4000x32xf32>
    %sub3A = arith.subf %mul3A_53, %select_n3A_52 : vector<4000x32xf32>
    %cos3A = math.cos %sub3A : vector<4000x32xf32>
    %get3A_54 = arith.constant 0 : index
    %get3A_55 = arith.constant 0 : index
    %get3A_56 = vector.load %arg2[%get3A_54, %get3A_55] : memref<4000x32xf32, #tpu.memory_space<vmem>>, vector<4000x32xf32>
    %concatenate3A_57 = tpu.concatenate %cos3A, %get3A_56 in 1 : vector<4000x32xf32>, vector<4000x32xf32> -> vector<4000x64xf32>
    %swap3A = arith.constant 0 : index
    %swap3A_58 = arith.constant 0 : index
    %swap3A_59 = vector.load %arg3[%swap3A, %swap3A_58] : memref<4000x64xf32, #tpu.memory_space<vmem>>, vector<4000x64xf32>
    tpu.vector_store %arg3[%swap3A, %swap3A_58], %concatenate3A_57 {strides = array<i32>} : memref<4000x64xf32, #tpu.memory_space<vmem>>, vector<4000x64xf32>,
    return
  }
  func.func @transform_0(%arg0: i32) -> (i32, i32) {
    %c0_i32 = arith.constant 0 : i32
    %c0_i32_0 = arith.constant 0 : i32
    return %arg0, %c0_i32 : i32, i32
  }
  func.func @transform_1(%arg0: i32) -> (i32, i32) {
    %c0_i32 = arith.constant 0 : i32
    %c0_i32_0 = arith.constant 0 : i32
    return %arg0, %c0_i32 : i32, i32
  }
  func.func @transform_2(%arg0: i32) -> (i32, i32) {
    %c0_i32 = arith.constant 0 : i32
    %c0_i32_0 = arith.constant 0 : i32
    return %arg0, %c0_i32 : i32, i32
  }
}

module attributes {stable_mosaic.version = 14 : i64} {
  func.func @_out2_body(%arg0: i32, %arg1: memref<12500x2xf32, #tpu.memory_space<vmem>>, %arg2: memref<12500x32xf32, #tpu.memory_space<vmem>>) attributes {dimension_semantics = [#tpu.dimension_semantics<arbitrary>], iteration_bounds = array<i64: 1>, scalar_prefetch = 0 : i64, scratch_operands = 0 : i64, tpu.core_type = #tpu.core_type<tc>, window_params = [{pipeline_mode = #tpu.pipeline_mode<synchronous>, transform_indices = @transform_0, window_bounds = array<i64: 12500, 2>}, {pipeline_mode = #tpu.pipeline_mode<synchronous>, transform_indices = @transform_1, window_bounds = array<i64: 12500, 32>}]} {
    %get3A = arith.constant 0 : index
    %get3A_0 = arith.constant 0 : index
    %get3A_1 = vector.load %arg1[%get3A, %get3A_0] : memref<12500x2xf32, #tpu.memory_space<vmem>>, vector<12500x2xf32>
    %slice3A = vector.extract_strided_slice %get3A_1 {offsets = [0, 0], sizes = [12500, 1], strides = [1, 1]} : vector<12500x2xf32> to vector<12500x1xf32>
    %broadcast_in_dim3A = vector.shape_cast %slice3A : vector<12500x1xf32> to vector<12500x1xf32>
    %broadcast_in_dim3A_2 = vector.broadcast %broadcast_in_dim3A : vector<12500x1xf32> to vector<12500x16xf32>
    %slice3A_3 = vector.extract_strided_slice %get3A_1 {offsets = [0, 1], sizes = [12500, 1], strides = [1, 1]} : vector<12500x2xf32> to vector<12500x1xf32>
    %broadcast_in_dim3A_4 = vector.shape_cast %slice3A_3 : vector<12500x1xf32> to vector<12500x1xf32>
    %broadcast_in_dim3A_5 = vector.broadcast %broadcast_in_dim3A_4 : vector<12500x1xf32> to vector<12500x16xf32>
    %concatenate3A = tpu.concatenate %broadcast_in_dim3A_2, %broadcast_in_dim3A_5 in 1 : vector<12500x16xf32>, vector<12500x16xf32> -> vector<12500x32xf32>
    %iota3A = tpu.iota {dimensions = array<i32: 1>} : vector<12500x32xi32>
    %jit3A = arith.constant 8 : i32
    %eq3A = arith.constant 0 : i32
    %eq3A_6 = arith.cmpi eq, %jit3A, %eq3A : i32
    %jit3A_7 = arith.constant 1 : i32
    %select_n3A = arith.select %eq3A_6, %jit3A_7, %jit3A : i32
    %rem3A = vector.broadcast %select_n3A : i32 to vector<12500x32xi32>
    %rem3A_8 = arith.remsi %iota3A, %rem3A : vector<12500x32xi32>
    %ne3A = arith.constant 0 : i32
    %ne3A_9 = vector.broadcast %ne3A : i32 to vector<12500x32xi32>
    %ne3A_10 = arith.cmpi ne, %rem3A_8, %ne3A_9 : vector<12500x32xi32>
    %lt3A = arith.constant 0 : i32
    %lt3A_11 = vector.broadcast %lt3A : i32 to vector<12500x32xi32>
    %lt3A_12 = arith.cmpi slt, %rem3A_8, %lt3A_11 : vector<12500x32xi32>
    %lt3A_13 = arith.constant 0 : i32
    %lt3A_14 = arith.cmpi slt, %select_n3A, %lt3A_13 : i32
    %ne3A_15 = vector.broadcast %lt3A_14 : i1 to vector<12500x32xi1>
    %ne3A_16 = vector.broadcast %ne3A_15 : vector<12500x32xi1> to vector<12500x32xi1>
    %ne3A_17 = arith.xori %lt3A_12, %ne3A_16 : vector<12500x32xi1>
    %and3A = arith.andi %ne3A_17, %ne3A_10 : vector<12500x32xi1>
    %add3A = vector.broadcast %select_n3A : i32 to vector<12500x32xi32>
    %add3A_18 = arith.addi %rem3A_8, %add3A : vector<12500x32xi32>
    %select_n3A_19 = arith.select %and3A, %add3A_18, %rem3A_8 : vector<12500x32xi1>, vector<12500x32xi32>
    %shift_left3A = arith.constant 1 : i32
    %shift_left3A_20 = vector.broadcast %shift_left3A : i32 to vector<12500x32xi32>
    %shift_left3A_21 = arith.shli %shift_left3A_20, %select_n3A_19 : vector<12500x32xi32>
    %convert_element_type3A = arith.sitofp %shift_left3A_21 : vector<12500x32xi32> to vector<12500x32xf32>
    %mul3A = arith.constant 3.14159274 : f32
    %mul3A_22 = vector.broadcast %mul3A : f32 to vector<12500x32xf32>
    %mul3A_23 = arith.mulf %convert_element_type3A, %mul3A_22 : vector<12500x32xf32>
    %jit3A_24 = arith.constant 16 : i32
    %eq3A_25 = arith.constant 0 : i32
    %eq3A_26 = arith.cmpi eq, %jit3A_24, %eq3A_25 : i32
    %jit3A_27 = arith.constant 1 : i32
    %select_n3A_28 = arith.select %eq3A_26, %jit3A_27, %jit3A_24 : i32
    %rem3A_29 = vector.broadcast %select_n3A_28 : i32 to vector<12500x32xi32>
    %rem3A_30 = arith.remsi %iota3A, %rem3A_29 : vector<12500x32xi32>
    %ne3A_31 = arith.constant 0 : i32
    %ne3A_32 = vector.broadcast %ne3A_31 : i32 to vector<12500x32xi32>
    %ne3A_33 = arith.cmpi ne, %rem3A_30, %ne3A_32 : vector<12500x32xi32>
    %lt3A_34 = arith.constant 0 : i32
    %lt3A_35 = vector.broadcast %lt3A_34 : i32 to vector<12500x32xi32>
    %lt3A_36 = arith.cmpi slt, %rem3A_30, %lt3A_35 : vector<12500x32xi32>
    %lt3A_37 = arith.constant 0 : i32
    %lt3A_38 = arith.cmpi slt, %select_n3A_28, %lt3A_37 : i32
    %ne3A_39 = vector.broadcast %lt3A_38 : i1 to vector<12500x32xi1>
    %ne3A_40 = vector.broadcast %ne3A_39 : vector<12500x32xi1> to vector<12500x32xi1>
    %ne3A_41 = arith.xori %lt3A_36, %ne3A_40 : vector<12500x32xi1>
    %and3A_42 = arith.andi %ne3A_41, %ne3A_33 : vector<12500x32xi1>
    %add3A_43 = vector.broadcast %select_n3A_28 : i32 to vector<12500x32xi32>
    %add3A_44 = arith.addi %rem3A_30, %add3A_43 : vector<12500x32xi32>
    %select_n3A_45 = arith.select %and3A_42, %add3A_44, %rem3A_30 : vector<12500x32xi1>, vector<12500x32xi32>
    %ge3A = arith.constant 8 : i32
    %ge3A_46 = vector.broadcast %ge3A : i32 to vector<12500x32xi32>
    %ge3A_47 = arith.cmpi sge, %select_n3A_45, %ge3A_46 : vector<12500x32xi32>
    %jit3A_48 = arith.constant 1.57079637 : f32
    %jit3A_49 = arith.constant 0.000000e+00 : f32
    %broadcast_in_dim3A_50 = vector.broadcast %jit3A_48 : f32 to vector<12500x32xf32>
    %broadcast_in_dim3A_51 = vector.broadcast %jit3A_49 : f32 to vector<12500x32xf32>
    %select_n3A_52 = arith.select %ge3A_47, %broadcast_in_dim3A_50, %broadcast_in_dim3A_51 : vector<12500x32xi1>, vector<12500x32xf32>
    %mul3A_53 = arith.mulf %concatenate3A, %mul3A_23 : vector<12500x32xf32>
    %sub3A = arith.subf %mul3A_53, %select_n3A_52 : vector<12500x32xf32>
    %cos3A = math.cos %sub3A : vector<12500x32xf32>
    %swap3A = arith.constant 0 : index
    %swap3A_54 = arith.constant 0 : index
    %swap3A_55 = vector.load %arg2[%swap3A, %swap3A_54] : memref<12500x32xf32, #tpu.memory_space<vmem>>, vector<12500x32xf32>
    tpu.vector_store %arg2[%swap3A, %swap3A_54], %cos3A {strides = array<i32>} : memref<12500x32xf32, #tpu.memory_space<vmem>>, vector<12500x32xf32>,
    return
  }
  func.func @transform_0(%arg0: i32) -> (i32, i32) {
    %c0_i32 = arith.constant 0 : i32
    %c0_i32_0 = arith.constant 0 : i32
    %c0_i32_1 = arith.constant 0 : i32
    return %c0_i32, %c0_i32_0 : i32, i32
  }
  func.func @transform_1(%arg0: i32) -> (i32, i32) {
    %c0_i32 = arith.constant 0 : i32
    %c0_i32_0 = arith.constant 0 : i32
    %c0_i32_1 = arith.constant 0 : i32
    return %c0_i32, %c0_i32_0 : i32, i32
  }
}

</mosaic_0001>

<sc_bundles>
// kernel: kernel.7.cloned.1.call-start
scs
__scs_entry_jumppad:
0x0: {  	(pc) =	sbr.rel $0x88, $3  }
0x1: {  	(tag) =	ssettag $0x0;
	lr =	simm.s32 $0x1  }
0x2: {  	[smem:$0x3F9E] =	sst lr;
	_ =	strace $0xD0000000  }
0x3: {  	_ = 	snop  }
0x4: {  	_ = 	snop  }
0x5: {  	_ = 	snop  }
0x6: {  	_ = 	snop  }
0x7: {  	_ = 	snop  }
__scs_overlays_trampoline_lowered:
0x8: {  	[smem:$0x3FAD] =	sst s0  }
0x9: {  	[smem:$0x3FAE] =	sst s1  }
0xa: {  	[smem:$0x3FAF] =	sst s2  }
0xb: {  	[smem:$0x3FB0] =	sst s3  }
0xc: {  	[smem:$0x3FB1] =	sst s4  }
0xd: {  	[smem:$0x3FB2] =	sst s5  }
0xe: {  	[smem:$0x3FB3] =	sst s6  }
0xf: {  	[smem:$0x3FB4] =	sst s7  }
0x10: {  	[smem:$0x3FB5] =	sst s8  }
0x11: {  	[smem:$0x3FB6] =	sst s9;
	s0 =	simm.s32 @!p0 $0x0  }
0x12: {  	s1 =	sld [smem:$0x3F9C];
	s0 =	simm.s32 @p0 $0x1  }
0x13: {  	[smem:$0x3FB7] =	sst s0;
	s0 =	simm.s32 @!p1 $0x0  }
0x14: {  	s2 =	sld [smem:$0x3F9B];
	s0 =	simm.s32 @p1 $0x1  }
0x15: {  	[smem:$0x3FB8] =	sst s0;
	s0 =	simm.s32 @!p2 $0x0  }
0x16: {  	s3 =	sld [smem:$0x3FDB];
	s0 =	simm.s32 @p2 $0x1  }
0x17: {  	s4 =	simm.s32 $0x1BF5;
	[smem:$0x3FBA] =	sst s0  }
0x18: {  	s0 =	sld [smem:$0x3F9D];
	_ =	swait.ge [sflag:s4], $0x0  }
0x19: {  	s7 =	sld [smem:$0x3F9E]  }
0x1a: {  	s8 =	sadd.s32 $0xFFFFE003, lr  }
0x1b: {  	s9 =	sadd.s32 $0xFFFFFEF7, lr;
	s5 =	simm.s32 $0xFFFFFFFF;
	p2 =	slt.u32 s8, $0xFFFFF086  }
0x1c: {  	p1 =	slt.u32 s9, $0xF7A;
	s5 =	simm.s32 @!p2 $0x0  }
0x1d: {  	s5 =	simm.s32 @p1 $0x1;
	p0 =	seq.s32 s7, s2  }
0x1e: {  	s7 =	smul.u32 @!p0 $0xF7A, s2;
	p2 =	seq.s32 @!p0 s5, $0x0  }
0x1f: {  	s9 =	smul.u32 $0xF7A, s1;
	s8 =	simm.s32 @!p0 $0x1BF5;
	p2 =	por !p2, p0  }
0x20: {  	[sflag:s8] =	ssyncset.s32 @!p0 $0xFFFFF086;
	s6 =	sadd.s32 @!p0 s3, s7;
	s7 =	simm.s32 @!p0 $0x108  }
0x21: {  	s3 =	sadd.s32 s3, s9;
	s6 =	sadd.s32 @!p0 $0x88, s6;
	s7 =	simm.s32 @p2 $0x1082  }
0x22: {  	[simem:s7], [sflag:s8] =	dma.local @!p0 [hbm:s6], $0xF7A  }
0x23: {  	s9 =	sor.u32 $0xD0000000, s2;
	s6 =	simm.s32 $0x108;
	_ =	swait.ge @!p0 [sflag:s8], $0x0  }
0x24: {  	s3 =	sadd.s32 $0x88, s3;
	s6 =	simm.s32 @!p1 $0x1082;
	[sflag:s4] =	ssyncset.s32 $0xFFFFF086  }
0x25: {  	[simem:s6], [sflag:s4] =	dma.local [hbm:s3], $0xF7A  }
0x26: {  	[smem:$0x3F9E] =	sst s1;
	(tag) =	ssettag s2;
	_ =	strace s9  }
0x27: {  	s1 =	sld [smem:$0x3FAE]  }
0x28: {  	s2 =	sld [smem:$0x3FAF]  }
0x29: {  	s4 =	sld [smem:$0x3FB1]  }
0x2a: {  	p0 =	seq.s32 s5, $0x0;
	s5 =	sld [smem:$0x3FB2]  }
0x2b: {  	s6 =	sld [smem:$0x3FB3]  }
0x2c: {  	s7 =	sld [smem:$0x3FB4]  }
0x2d: {  	s3 =	simm.s32 $0x108;
	s8 =	sld [smem:$0x3FB5]  }
0x2e: {  	s3 =	simm.s32 @!p0 $0x1082;
	s9 =	sld [smem:$0x3FB6]  }
0x2f: {  	lr =	sadd.s32 s0, s3;
	s0 =	sld [smem:$0x3FAD]  }
0x30: {  	s3 =	sld [smem:$0x3FB0]  }
0x31: {  	[smem:$0x3FB9] =	sst s10  }
0x32: {  	s10 =	sld [smem:$0x3FB7];
	_ =	sdelay $0x3  }
0x33: {  	p0 =	seq.s32 s10, $0x1;
	s10 =	sld [smem:$0x3FB9];
	_ =	sdelay $0x3  }
0x34: {  	[smem:$0x3FB9] =	sst s10  }
0x35: {  	s10 =	sld [smem:$0x3FB8];
	_ =	sdelay $0x3  }
0x36: {  	p1 =	seq.s32 s10, $0x1;
	s10 =	sld [smem:$0x3FB9];
	_ =	sdelay $0x3  }
0x37: {  	[smem:$0x3FB9] =	sst s10  }
0x38: {  	s10 =	sld [smem:$0x3FBA]  }
0x39: {  	_ = 	snop;
	(pc) =	sbr.ind lr, $3  }
0x3a: {  	_ = 	snop  }
0x3b: {  	_ = 	snop  }
0x3c: {  	p2 =	seq.s32 s10, $0x1;
	s10 =	sld [smem:$0x3FB9]  }
0x3d: {  	_ =	shalt  }
0x3e: {  	_ =	shalt  }
0x3f: {  	_ =	shalt  }
0x40: {  	_ =	shalt  }
0x41: {  	_ =	shalt  }
0x42: {  	_ =	shalt  }
0x43: {  	_ =	shalt  }
0x44: {  	_ =	shalt  }
0x45: {  	_ =	shalt  }
0x46: {  	_ =	shalt  }
0x47: {  	_ =	shalt  }
0x48: {  	_ =	shalt  }
0x49: {  	_ =	shalt  }
0x4a: {  	_ =	shalt  }
0x4b: {  	_ =	shalt  }
0x4c: {  	_ =	shalt  }
0x4d: {  	_ =	shalt  }
0x4e: {  	_ =	shalt  }
0x4f: {  	_ =	shalt  }
0x50: {  	_ =	shalt  }
0x51: {  	_ =	shalt  }
0x52: {  	_ =	shalt  }
0x53: {  	_ =	shalt  }
0x54: {  	_ =	shalt  }
0x55: {  	_ =	shalt  }
0x56: {  	_ =	shalt  }
0x57: {  	_ =	shalt  }
0x58: {  	_ =	shalt  }
0x59: {  	_ =	shalt  }
0x5a: {  	_ =	shalt  }
0x5b: {  	_ =	shalt  }
0x5c: {  	_ =	shalt  }
0x5d: {  	_ =	shalt  }
0x5e: {  	_ =	shalt  }
0x5f: {  	_ =	shalt  }
0x60: {  	_ =	shalt  }
0x61: {  	_ =	shalt  }
0x62: {  	_ =	shalt  }
0x63: {  	_ =	shalt  }
0x64: {  	_ =	shalt  }
0x65: {  	_ =	shalt  }
0x66: {  	_ =	shalt  }
0x67: {  	_ =	shalt  }
0x68: {  	_ =	shalt  }
0x69: {  	_ =	shalt  }
0x6a: {  	_ =	shalt  }
0x6b: {  	_ =	shalt  }
0x6c: {  	_ =	shalt  }
0x6d: {  	_ =	shalt  }
0x6e: {  	_ =	shalt  }
0x6f: {  	_ =	shalt  }
0x70: {  	_ =	shalt  }
0x71: {  	_ =	shalt  }
0x72: {  	_ =	shalt  }
0x73: {  	_ =	shalt  }
0x74: {  	_ =	shalt  }
0x75: {  	_ =	shalt  }
0x76: {  	_ =	shalt  }
0x77: {  	_ =	shalt  }
0x78: {  	_ =	shalt  }
0x79: {  	_ =	shalt  }
0x7a: {  	_ =	shalt  }
0x7b: {  	_ =	shalt  }
0x7c: {  	_ =	shalt  }
0x7d: {  	_ =	shalt  }
0x7e: {  	_ =	shalt  }
0x7f: {  	_ =	shalt  }
0x80: {  	_ =	shalt  }
0x81: {  	_ =	shalt  }
0x82: {  	_ =	shalt  }
0x83: {  	_ =	shalt  }
0x84: {  	_ =	shalt  }
0x85: {  	_ =	shalt  }
0x86: {  	_ =	shalt  }
0x87: {  	_ =	shalt  }
.Lfunc_end0:
.L_simem_size_0:
called_computation.1_lowered:
.L_overlay_start_0:
0x88: {  	s2 =	sld [smem:$0x3FD9]  }
0x89: {  	s3 =	sld [smem:$0x3FFE];
	_ =	sdelay $0x1  }
0x8a: {  	s1 =	srdreg.scid  }
0x8b: {  	s0 =	sand.u32 $0x1, s1  }
0x8c: {  	s14 =	sshll.u32 s0, $0xA;
	s2 =	sadd.s32 s3, s2  }
0x8d: {  	s2 =	sadd.s32 s2, s14  }
0x8e: {  	[smem:$0x3FC5] =	sst s2  }
0x8f: {  	_ = 	snop  }
0x90: {  	s2 =	sld [smem:$0x3FD0];
	_ =	sdelay $0x2  }
0x91: {  	s15 =	simm.s32 $0xA;
	s4 =	simm.s32 $0x10  }
0x92: {  	[smem:s4], [sflag:s15] =	dma.local [hbm:s2], $0x1  }
0x93: {  	_ =	swait.eq [sflag:s15], $0x1  }
0x94: {  	[sflag:s15] =	ssyncset.done $0x0  }
0x95: {  	[sflag:s15] =	ssyncadd.s32 $0xFFFFFFFF  }
0x96: {  	s16 =	sld [smem:$0x10];
	(tm) =	ssettm $0x1  }
0x97: {  	s17 =	sld [smem:$0x3FFB];
	_ =	sdelay $0x3  }
0x98: {  	_ =	strace s17  }
0x99: {  	s3 =	sld [smem:$0x3FFC];
	_ =	sdelay $0x3  }
0x9a: {  	_ =	strace s3  }
0x9b: {  	s3 =	sld [smem:$0x3FFD];
	_ =	sdelay $0x3  }
0x9c: {  	_ =	strace s3  }
0x9d: {  	_ =	strace $0x8FFFFFFF  }
0x9e: {  	s18 =	sld [smem:$0x3FDB];
	_ =	sdelay $0x1  }
0x9f: {  	s19 =	simm.s32 $_scs_section_size  }
0xa0: {  	s5 =	simm.s32 $_size__tile_overlayer_lowered;
	s6 =	simm.s32 $_tile_overlayer_lowered  }
0xa1: {  	s22 =	simm.s32 $0x1BFF;
	s21 =	sshll.u32 s6, $0x1;
	s3 =	sadd.s32 s19, s18  }
0xa2: {  	s7 =	simm.s32 $0x0;
	s20 =	sshll.u32 s5, $0x1;
	s5 =	sadd.s32 s21, s3  }
0xa3: {  	[timem:s7], [sflag:s22] =	dma.local [hbm:s5], s20  }
0xa4: {  	_ =	swait.ge [sflag:s22], s20  }
0xa5: {  	s4 =	ssub.s32 $0x0, s20;
	[sflag:s22] =	ssyncset.done $0x0  }
0xa6: {  	[sflag:s22] =	ssyncadd.s32 s4;
	_ =	sdelay $0x1  }
0xa7: {  	s23 =	simm.s32 $0x1B8B  }
0xa8: {  	_ =	swait.ge [sflag:s23], $0x1  }
0xa9: {  	[sflag:s23] =	ssyncset.done $0x0  }
0xaa: {  	s25 =	simm.s32 $0x1B8E;
	s24 =	sld [smem:$0x3FFE];
	[sflag:s23] =	ssyncadd.s32 $0xFFFFFFFF  }
0xab: {  	s26 =	simm.s32 $execute0_lowered;
	[smem:$0x3FD2] =	sst s25  }
0xac: {  	s5 =	sshll.u32 s26, $0x1;
	_ =	strace $0x80000046;
	[dreg:$0x1] =	wrdreg $0xFFFFFFFF  }
0xad: {  	s28 =	simm.s32 $_size_execute0_lowered;
	s3 =	sadd.s32 s3, s5;
	[dreg:$0x0] =	wrdreg $0x0  }
0xae: {  	s5 =	sshll.u32 s28, $0x1;
	[dreg:$0x2] =	wrdreg s3  }
0xaf: {  	[dreg:$0x3] =	wrdreg s5  }
0xb0: {  	[dreg:$0x4] =	wrdreg $0xC0  }
0xb1: {  	_ =	task [dreg:s7], $0x5FFFF  }
0xb2: {  	[dreg:$0x1] =	wrdreg $0xFFFFFFFF  }
0xb3: {  	[dreg:$0x0] =	wrdreg $0x60  }
0xb4: {  	[dreg:$0x2] =	wrdreg s24  }
0xb5: {  	[dreg:$0x3] =	wrdreg s16  }
0xb6: {  	[dreg:$0x4] =	wrdreg $0x9  }
0xb7: {  	_ =	task.clear_ibuf [dreg:s7], $0x5FFFF;
	_ =	strace $0x90000046  }
0xb8: {  	s29 =	simm.s32 $0x9;
	_ =	strace $0x80000048  }
0xb9: {  	_ =	swait.ge [sflag:s29], $0x1  }
0xba: {  	[sflag:s29] =	ssyncadd.s32 $0xFFFFFFFF  }
0xbb: {  	_ =	strace $0x90000048  }
0xbc: {  	_ =	sfence  }
0xbd: {  	s30 =	sld [smem:$0x0];
	_ =	sdelay $0x2  }
0xbe: {  	s31 =	sshll.u32 s1, $0xD;
	s1 =	sshrl.u32 s1, $0x2  }
0xbf: {  	s3 =	sand.u32 $0x4000, s31;
	s1 =	sadd.s32 s1, s30  }
0xc0: {  	s0 =	sor.u32 s3, s0;
	s1 =	sshll.u32 s1, $0x11  }
0xc1: {  	s0 =	sor.u32 s1, s0  }
0xc2: {  	s0 =	sadd.s32 $0x8F2B, s0  }
0xc3: {  	[sflag:s0] =	ssyncadd.remote.s32 $0x1  }
0xc4: {  	_ =	sfence.sel $0xFFFF  }
0xc5: {  	[dreg:$0x0] =	wrdreg $0xFFFFFFFF;
	(pc) =	sbr.abs _section_cstart, $3  }
0xc6: {  	[dreg:$0x1] =	wrdreg $0xFFFFFFFF  }
0xc7: {  	_ =	task.clear_ibuf [dreg:s7], $0x2FFFF;
	_ =	strace $0x9FFFFFFF  }
0xc8: {  	(tm) =	ssettm $0x7FFFFFFF  }
0xc9: {  	_ =	shalt  }
tec
execute0_lowered:
.L_overlay_start_1:
0x0: {  	(tag) =	ssettag $0x1  }
0x1: {  	s4 =	rddreg [dreg:$0x0]  }
0x2: {  	s1 =	srdreg.scid;
	s0 =	stileid.u32  }
0x3: {  	s5 =	rddreg [dreg:$0x1];
	s2 =	simm.s32 $0x0;
	s11 =	simm.s32 $0x80  }
0x4: {  	s12 =	simm.s32 $0x1;
	s13 =	simm.s32 $0x6800;
	s14 =	simm.s32 $0x9C00  }
0x5: {  	s3 =	sand.u32 $0x1, s1;
	s6 =	sshll.u32 s0, $0x1;
	s1 =	rddreg [dreg:$0x2]  }
0x6: {  	s15 =	simm.s32 $0x0;
	[smem:$0x7FF] =	sst s2;
	s6 =	sor.u32 s3, s6  }
0x7: {  	s10 =	sadd.s32 $0xD000, s5;
	s31 =	ssub.s32 $0x2, s3;
	s9 =	smul.u32 $0x680, s6  }
0x8: {  	_ =	strace $0x80000047;
	s3 =	sadd.s32 $0x61AA00, s4;
	s7 =	sshrl.u32 s31, $0x1  }
0x9: {  	s7 =	ssub.s32 s31, s7;
	s8 =	sadd.s32 s9, s4;
	s4 =	sadd.s32 s5, s9  }
0xa: {  	s7 =	smax.u32 s7, $0x1;
	s9 =	sadd.s32 s9, s10;
	s10 =	simm.s32 $0x3400  }
0xb: {  	s5 =	sadd.s32 $0x633200, s8;
	s6 =	sadd.s32 $0x640200, s8;
	s8 =	simm.s32 $0x2  }
.LBB2_1:
0xc: {  	[tilespmem:s2], [sflag:$0x2] =	stream.linear.gather [hbm4b:s4+s2], $0x3400, $0x38;
	[tilespmem:$0xD000] =	vst v63  }
0xd: {  	_ =	swait.ge [sflag:s8], $0x3400  }
0xe: {  	[sflag:s8] =	ssyncset.done $0x0  }
0xf: {  	[sflag:s8] =	ssyncadd.s32 $0xFFFFCC00  }
0x10: {  	[tilespmem:s10], [sflag:$0x2] =	stream.linear.gather [hbm4b:s9+s2], $0x3400, $0x38;
	[tilespmem:$0xD000] =	vst v63  }
0x11: {  	_ =	swait.ge [sflag:s8], $0x3400  }
0x12: {  	[sflag:s8] =	ssyncset.done $0x0  }
0x13: {  	s16 =	simm.s32 $0x0;
	s17 =	simm.s32 $0x6800;
	[sflag:s8] =	ssyncadd.s32 $0xFFFFCC00  }
0x14: {  	[tilespmem:s17], [sflag:$0x1] =	stream.indirect.gather [hbm4b:s3+s11], $0x1, s16, s11, $0xb8;
	[tilespmem:$0xD000] =	vst v63  }
0x15: {  	s23 =	simm.s32 $0x9C00;
	s24 =	simm.s32 $0x3400  }
0x16: {  	[tilespmem:s23], [sflag:$0x1] =	stream.indirect.gather [hbm4b:s3+s11], $0x1, s24, s11, $0xb8;
	[tilespmem:$0xD000] =	vst v63  }
0x17: {  	s25 =	simm.s32 $0x6880;
	s26 =	simm.s32 $0x80  }
0x18: {  	[tilespmem:s25], [sflag:$0x1] =	stream.indirect.gather [hbm4b:s3+s11], $0x1, s26, s11, $0xb8;
	[tilespmem:$0xD000] =	vst v63  }
0x19: {  	s28 =	simm.s32 $0x9C80;
	s29 =	simm.s32 $0x3480  }
0x1a: {  	[tilespmem:s28], [sflag:$0x1] =	stream.indirect.gather [hbm4b:s3+s11], $0x1, s29, s11, $0xb8;
	[tilespmem:$0xD000] =	vst v63  }
0x1b: {  	s30 =	simm.s32 $0x6900;
	s31 =	simm.s32 $0x100  }
0x1c: {  	[tilespmem:s30], [sflag:$0x1] =	stream.indirect.gather [hbm4b:s3+s11], $0x1, s31, s11, $0xb8;
	[tilespmem:$0xD000] =	vst v63  }
0x1d: {  	s18 =	simm.s32 $0x3500;
	s17 =	simm.s32 $0x9D00  }
0x1e: {  	[tilespmem:s17], [sflag:$0x1] =	stream.indirect.gather [hbm4b:s3+s11], $0x1, s18, s11, $0xb8;
	[tilespmem:$0xD000] =	vst v63  }
0x1f: {  	s19 =	simm.s32 $0x6980;
	s20 =	simm.s32 $0x180  }
0x20: {  	[tilespmem:s19], [sflag:$0x1] =	stream.indirect.gather [hbm4b:s3+s11], $0x1, s20, s11, $0xb8;
	[tilespmem:$0xD000] =	vst v63  }
0x21: {  	s21 =	simm.s32 $0x9D80;
	s22 =	simm.s32 $0x3580  }
0x22: {  	[tilespmem:s21], [sflag:$0x1] =	stream.indirect.gather [hbm4b:s3+s11], $0x1, s22, s11, $0xb8;
	[tilespmem:$0xD000] =	vst v63  }
0x23: {  	s23 =	simm.s32 $0x6A00;
	s24 =	simm.s32 $0x200  }
0x24: {  	[tilespmem:s23], [sflag:$0x1] =	stream.indirect.gather [hbm4b:s3+s11], $0x1, s24, s11, $0xb8;
	[tilespmem:$0xD000] =	vst v63  }
0x25: {  	s25 =	simm.s32 $0x9E00;
	s26 =	simm.s32 $0x3600  }
0x26: {  	[tilespmem:s25], [sflag:$0x1] =	stream.indirect.gather [hbm4b:s3+s11], $0x1, s26, s11, $0xb8;
	[tilespmem:$0xD000] =	vst v63  }
0x27: {  	s28 =	simm.s32 $0x6A80;
	s29 =	simm.s32 $0x280  }
0x28: {  	[tilespmem:s28], [sflag:$0x1] =	stream.indirect.gather [hbm4b:s3+s11], $0x1, s29, s11, $0xb8;
	[tilespmem:$0xD000] =	vst v63  }
0x29: {  	s30 =	simm.s32 $0x9E80;
	s31 =	simm.s32 $0x3680  }
0x2a: {  	[tilespmem:s30], [sflag:$0x1] =	stream.indirect.gather [hbm4b:s3+s11], $0x1, s31, s11, $0xb8;
	[tilespmem:$0xD000] =	vst v63  }
0x2b: {  	s17 =	simm.s32 $0x6B00;
	s18 =	simm.s32 $0x300  }
0x2c: {  	[tilespmem:s17], [sflag:$0x1] =	stream.indirect.gather [hbm4b:s3+s11], $0x1, s18, s11, $0xb8;
	[tilespmem:$0xD000] =	vst v63  }
0x2d: {  	s19 =	simm.s32 $0x9F00;
	s20 =	simm.s32 $0x3700  }
0x2e: {  	[tilespmem:s19], [sflag:$0x1] =	stream.indirect.gather [hbm4b:s3+s11], $0x1, s20, s11, $0xb8;
	[tilespmem:$0xD000] =	vst v63  }
0x2f: {  	s21 =	simm.s32 $0x6B80;
	s22 =	simm.s32 $0x380  }
0x30: {  	[tilespmem:s21], [sflag:$0x1] =	stream.indirect.gather [hbm4b:s3+s11], $0x1, s22, s11, $0xb8;
	[tilespmem:$0xD000] =	vst v63  }
0x31: {  	s23 =	simm.s32 $0x9F80;
	s24 =	simm.s32 $0x3780  }
0x32: {  	[tilespmem:s23], [sflag:$0x1] =	stream.indirect.gather [hbm4b:s3+s11], $0x1, s24, s11, $0xb8;
	[tilespmem:$0xD000] =	vst v63  }
0x33: {  	s25 =	simm.s32 $0x6C00;
	s26 =	simm.s32 $0x400  }
0x34: {  	[tilespmem:s25], [sflag:$0x1] =	stream.indirect.gather [hbm4b:s3+s11], $0x1, s26, s11, $0xb8;
	[tilespmem:$0xD000] =	vst v63  }
0x35: {  	s28 =	simm.s32 $0xA000;
	s29 =	simm.s32 $0x3800  }
0x36: {  	[tilespmem:s28], [sflag:$0x1] =	stream.indirect.gather [hbm4b:s3+s11], $0x1, s29, s11, $0xb8;
	[tilespmem:$0xD000] =	vst v63  }
0x37: {  	s30 =	simm.s32 $0x6C80;
	s31 =	simm.s32 $0x480  }
0x38: {  	[tilespmem:s30], [sflag:$0x1] =	stream.indirect.gather [hbm4b:s3+s11], $0x1, s31, s11, $0xb8;
	[tilespmem:$0xD000] =	vst v63  }
0x39: {  	s17 =	simm.s32 $0xA080;
	s18 =	simm.s32 $0x3880  }
0x3a: {  	[tilespmem:s17], [sflag:$0x1] =	stream.indirect.gather [hbm4b:s3+s11], $0x1, s18, s11, $0xb8;
	[tilespmem:$0xD000] =	vst v63  }
0x3b: {  	s19 =	simm.s32 $0x6D00;
	s20 =	simm.s32 $0x500  }
0x3c: {  	[tilespmem:s19], [sflag:$0x1] =	stream.indirect.gather [hbm4b:s3+s11], $0x1, s20, s11, $0xb8;
	[tilespmem:$0xD000] =	vst v63  }
0x3d: {  	s21 =	simm.s32 $0xA100;
	s22 =	simm.s32 $0x3900  }
0x3e: {  	[tilespmem:s21], [sflag:$0x1] =	stream.indirect.gather [hbm4b:s3+s11], $0x1, s22, s11, $0xb8;
	[tilespmem:$0xD000] =	vst v63  }
0x3f: {  	s23 =	simm.s32 $0x6D80;
	s24 =	simm.s32 $0x580  }
0x40: {  	[tilespmem:s23], [sflag:$0x1] =	stream.indirect.gather [hbm4b:s3+s11], $0x1, s24, s11, $0xb8;
	[tilespmem:$0xD000] =	vst v63  }
0x41: {  	s25 =	simm.s32 $0xA180;
	s26 =	simm.s32 $0x3980  }
0x42: {  	[tilespmem:s25], [sflag:$0x1] =	stream.indirect.gather [hbm4b:s3+s11], $0x1, s26, s11, $0xb8;
	[tilespmem:$0xD000] =	vst v63  }
0x43: {  	s28 =	simm.s32 $0x6E00;
	s29 =	simm.s32 $0x600  }
0x44: {  	[tilespmem:s28], [sflag:$0x1] =	stream.indirect.gather [hbm4b:s3+s11], $0x1, s29, s11, $0xb8;
	[tilespmem:$0xD000] =	vst v63  }
0x45: {  	s30 =	simm.s32 $0xA200;
	s31 =	simm.s32 $0x3A00  }
0x46: {  	[tilespmem:s30], [sflag:$0x1] =	stream.indirect.gather [hbm4b:s3+s11], $0x1, s31, s11, $0xb8;
	[tilespmem:$0xD000] =	vst v63  }
0x47: {  	_ =	swait.ge [sflag:s12], $0x80  }
0x48: {  	[sflag:s12] =	ssyncset.done $0x0  }
0x49: {  	[sflag:s12] =	ssyncadd.s32 $0xFFFFFF80  }
0x4a: {  	_ =	swait.ge [sflag:s12], $0x80  }
0x4b: {  	[sflag:s12] =	ssyncset.done $0x0  }
0x4c: {  	[sflag:s12] =	ssyncadd.s32 $0xFFFFFF80  }
0x4d: {  	_ =	swait.ge [sflag:s12], $0x80  }
0x4e: {  	[sflag:s12] =	ssyncset.done $0x0  }
0x4f: {  	[sflag:s12] =	ssyncadd.s32 $0xFFFFFF80  }
0x50: {  	_ =	swait.ge [sflag:s12], $0x80  }
0x51: {  	[sflag:s12] =	ssyncset.done $0x0  }
0x52: {  	[sflag:s12] =	ssyncadd.s32 $0xFFFFFF80  }
0x53: {  	_ =	swait.ge [sflag:s12], $0x80  }
0x54: {  	[sflag:s12] =	ssyncset.done $0x0  }
0x55: {  	[sflag:s12] =	ssyncadd.s32 $0xFFFFFF80  }
0x56: {  	_ =	swait.ge [sflag:s12], $0x80  }
0x57: {  	[sflag:s12] =	ssyncset.done $0x0  }
0x58: {  	[sflag:s12] =	ssyncadd.s32 $0xFFFFFF80  }
0x59: {  	_ =	swait.ge [sflag:s12], $0x80  }
0x5a: {  	[sflag:s12] =	ssyncset.done $0x0  }
0x5b: {  	[sflag:s12] =	ssyncadd.s32 $0xFFFFFF80  }
0x5c: {  	_ =	swait.ge [sflag:s12], $0x80  }
0x5d: {  	[sflag:s12] =	ssyncset.done $0x0  }
0x5e: {  	[sflag:s12] =	ssyncadd.s32 $0xFFFFFF80  }
0x5f: {  	_ =	swait.ge [sflag:s12], $0x80  }
0x60: {  	[sflag:s12] =	ssyncset.done $0x0  }
0x61: {  	[sflag:s12] =	ssyncadd.s32 $0xFFFFFF80  }
0x62: {  	_ =	swait.ge [sflag:s12], $0x80  }
0x63: {  	[sflag:s12] =	ssyncset.done $0x0  }
0x64: {  	[sflag:s12] =	ssyncadd.s32 $0xFFFFFF80  }
0x65: {  	_ =	swait.ge [sflag:s12], $0x80  }
0x66: {  	[sflag:s12] =	ssyncset.done $0x0  }
0x67: {  	[sflag:s12] =	ssyncadd.s32 $0xFFFFFF80  }
0x68: {  	_ =	swait.ge [sflag:s12], $0x80  }
0x69: {  	[sflag:s12] =	ssyncset.done $0x0  }
0x6a: {  	[sflag:s12] =	ssyncadd.s32 $0xFFFFFF80  }
0x6b: {  	_ =	swait.ge [sflag:s12], $0x80  }
0x6c: {  	[sflag:s12] =	ssyncset.done $0x0  }
0x6d: {  	[sflag:s12] =	ssyncadd.s32 $0xFFFFFF80  }
0x6e: {  	_ =	swait.ge [sflag:s12], $0x80  }
0x6f: {  	[sflag:s12] =	ssyncset.done $0x0  }
0x70: {  	[sflag:s12] =	ssyncadd.s32 $0xFFFFFF80  }
0x71: {  	_ =	swait.ge [sflag:s12], $0x80  }
0x72: {  	[sflag:s12] =	ssyncset.done $0x0  }
0x73: {  	[sflag:s12] =	ssyncadd.s32 $0xFFFFFF80  }
0x74: {  	_ =	swait.ge [sflag:s12], $0x80  }
0x75: {  	[sflag:s12] =	ssyncset.done $0x0  }
0x76: {  	[sflag:s12] =	ssyncadd.s32 $0xFFFFFF80  }
0x77: {  	_ =	swait.ge [sflag:s12], $0x80  }
0x78: {  	[sflag:s12] =	ssyncset.done $0x0  }
0x79: {  	[sflag:s12] =	ssyncadd.s32 $0xFFFFFF80  }
0x7a: {  	_ =	swait.ge [sflag:s12], $0x80  }
0x7b: {  	[sflag:s12] =	ssyncset.done $0x0  }
0x7c: {  	[sflag:s12] =	ssyncadd.s32 $0xFFFFFF80  }
0x7d: {  	_ =	swait.ge [sflag:s12], $0x80  }
0x7e: {  	[sflag:s12] =	ssyncset.done $0x0  }
0x7f: {  	[sflag:s12] =	ssyncadd.s32 $0xFFFFFF80  }
0x80: {  	_ =	swait.ge [sflag:s12], $0x80  }
0x81: {  	[sflag:s12] =	ssyncset.done $0x0  }
0x82: {  	[sflag:s12] =	ssyncadd.s32 $0xFFFFFF80  }
0x83: {  	_ =	swait.ge [sflag:s12], $0x80  }
0x84: {  	[sflag:s12] =	ssyncset.done $0x0  }
0x85: {  	[sflag:s12] =	ssyncadd.s32 $0xFFFFFF80  }
0x86: {  	_ =	swait.ge [sflag:s12], $0x80  }
0x87: {  	[sflag:s12] =	ssyncset.done $0x0  }
0x88: {  	[sflag:s12] =	ssyncadd.s32 $0xFFFFFF80  }
0x89: {  	_ =	swait.ge [sflag:s12], $0x80  }
0x8a: {  	[sflag:s12] =	ssyncset.done $0x0  }
0x8b: {  	[sflag:s12] =	ssyncadd.s32 $0xFFFFFF80  }
0x8c: {  	_ =	swait.ge [sflag:s12], $0x80  }
0x8d: {  	[sflag:s12] =	ssyncset.done $0x0  }
0x8e: {  	[sflag:s12] =	ssyncadd.s32 $0xFFFFFF80  }
0x8f: {  	_ =	swait.ge [sflag:s12], $0x80  }
0x90: {  	[sflag:s12] =	ssyncset.done $0x0  }
0x91: {  	[sflag:s12] =	ssyncadd.s32 $0xFFFFFF80  }
0x92: {  	_ =	swait.ge [sflag:s12], $0x80  }
0x93: {  	s18 =	simm.s32 $0x680;
	s19 =	simm.s32 $0x3400;
	[sflag:s12] =	ssyncset.done $0x0  }
.LBB2_2:
0x94: {  	s20 =	sadd.s32 $0x6800, s18  }
0x95: {  	[sflag:s12] =	ssyncadd.s32 $0xFFFFFF80;
	s17 =	smov.u32 s19;
	s16 =	sadd.s32 $0x1A00, s19  }
0x96: {  	[tilespmem:s20], [sflag:$0x1] =	stream.indirect.gather [hbm4b:s3+s11], $0x1, s18, s11, $0xb8;
	[tilespmem:$0xD000] =	vst v63  }
0x97: {  	p0 =	sne.s32 s19, $0xB600;
	s19 =	sadd.s32 $0x9C00, s18;
	s20 =	sadd.s32 $0x3400, s18  }
0x98: {  	[tilespmem:s19], [sflag:$0x1] =	stream.indirect.gather [hbm4b:s3+s11], $0x1, s20, s11, $0xb8;
	[tilespmem:$0xD000] =	vst v63  }
0x99: {  	s19 =	sadd.s32 $0x6880, s18;
	s20 =	sadd.s32 $0x80, s18  }
0x9a: {  	[tilespmem:s19], [sflag:$0x1] =	stream.indirect.gather [hbm4b:s3+s11], $0x1, s20, s11, $0xb8;
	[tilespmem:$0xD000] =	vst v63  }
0x9b: {  	s19 =	sadd.s32 $0x9C80, s18;
	s20 =	sadd.s32 $0x3480, s18  }
0x9c: {  	[tilespmem:s19], [sflag:$0x1] =	stream.indirect.gather [hbm4b:s3+s11], $0x1, s20, s11, $0xb8;
	[tilespmem:$0xD000] =	vst v63  }
0x9d: {  	s19 =	sadd.s32 $0x6900, s18;
	s20 =	sadd.s32 $0x100, s18  }
0x9e: {  	[tilespmem:s19], [sflag:$0x1] =	stream.indirect.gather [hbm4b:s3+s11], $0x1, s20, s11, $0xb8;
	[tilespmem:$0xD000] =	vst v63  }
0x9f: {  	s19 =	sadd.s32 $0x9D00, s18;
	s20 =	sadd.s32 $0x3500, s18  }
0xa0: {  	[tilespmem:s19], [sflag:$0x1] =	stream.indirect.gather [hbm4b:s3+s11], $0x1, s20, s11, $0xb8;
	[tilespmem:$0xD000] =	vst v63  }
0xa1: {  	s19 =	sadd.s32 $0x6980, s18;
	s20 =	sadd.s32 $0x180, s18  }
0xa2: {  	[tilespmem:s19], [sflag:$0x1] =	stream.indirect.gather [hbm4b:s3+s11], $0x1, s20, s11, $0xb8;
	[tilespmem:$0xD000] =	vst v63  }
0xa3: {  	s19 =	sadd.s32 $0x9D80, s18;
	s20 =	sadd.s32 $0x3580, s18  }
0xa4: {  	[tilespmem:s19], [sflag:$0x1] =	stream.indirect.gather [hbm4b:s3+s11], $0x1, s20, s11, $0xb8;
	[tilespmem:$0xD000] =	vst v63  }
0xa5: {  	s19 =	sadd.s32 $0x6A00, s18;
	s20 =	sadd.s32 $0x200, s18  }
0xa6: {  	[tilespmem:s19], [sflag:$0x1] =	stream.indirect.gather [hbm4b:s3+s11], $0x1, s20, s11, $0xb8;
	[tilespmem:$0xD000] =	vst v63  }
0xa7: {  	s19 =	sadd.s32 $0x9E00, s18;
	s20 =	sadd.s32 $0x3600, s18  }
0xa8: {  	[tilespmem:s19], [sflag:$0x1] =	stream.indirect.gather [hbm4b:s3+s11], $0x1, s20, s11, $0xb8;
	[tilespmem:$0xD000] =	vst v63  }
0xa9: {  	s19 =	sadd.s32 $0x6A80, s18;
	s20 =	sadd.s32 $0x280, s18  }
0xaa: {  	[tilespmem:s19], [sflag:$0x1] =	stream.indirect.gather [hbm4b:s3+s11], $0x1, s20, s11, $0xb8;
	[tilespmem:$0xD000] =	vst v63  }
0xab: {  	s19 =	sadd.s32 $0x9E80, s18;
	s20 =	sadd.s32 $0x3680, s18  }
0xac: {  	[tilespmem:s19], [sflag:$0x1] =	stream.indirect.gather [hbm4b:s3+s11], $0x1, s20, s11, $0xb8;
	[tilespmem:$0xD000] =	vst v63  }
0xad: {  	s19 =	sadd.s32 $0x6B00, s18;
	s20 =	sadd.s32 $0x300, s18  }
0xae: {  	[tilespmem:s19], [sflag:$0x1] =	stream.indirect.gather [hbm4b:s3+s11], $0x1, s20, s11, $0xb8;
	[tilespmem:$0xD000] =	vst v63  }
0xaf: {  	s19 =	sadd.s32 $0x9F00, s18;
	s20 =	sadd.s32 $0x3700, s18  }
0xb0: {  	[tilespmem:s19], [sflag:$0x1] =	stream.indirect.gather [hbm4b:s3+s11], $0x1, s20, s11, $0xb8;
	[tilespmem:$0xD000] =	vst v63  }
0xb1: {  	s19 =	sadd.s32 $0x6B80, s18;
	s20 =	sadd.s32 $0x380, s18  }
0xb2: {  	[tilespmem:s19], [sflag:$0x1] =	stream.indirect.gather [hbm4b:s3+s11], $0x1, s20, s11, $0xb8;
	[tilespmem:$0xD000] =	vst v63  }
0xb3: {  	s19 =	sadd.s32 $0x9F80, s18;
	s20 =	sadd.s32 $0x3780, s18  }
0xb4: {  	[tilespmem:s19], [sflag:$0x1] =	stream.indirect.gather [hbm4b:s3+s11], $0x1, s20, s11, $0xb8;
	[tilespmem:$0xD000] =	vst v63  }
0xb5: {  	s19 =	sadd.s32 $0x6C00, s18;
	s20 =	sadd.s32 $0x400, s18  }
0xb6: {  	[tilespmem:s19], [sflag:$0x1] =	stream.indirect.gather [hbm4b:s3+s11], $0x1, s20, s11, $0xb8;
	[tilespmem:$0xD000] =	vst v63  }
0xb7: {  	s19 =	sadd.s32 $0xA000, s18;
	s20 =	sadd.s32 $0x3800, s18  }
0xb8: {  	[tilespmem:s19], [sflag:$0x1] =	stream.indirect.gather [hbm4b:s3+s11], $0x1, s20, s11, $0xb8;
	[tilespmem:$0xD000] =	vst v63  }
0xb9: {  	s19 =	sadd.s32 $0x6C80, s18;
	s20 =	sadd.s32 $0x480, s18  }
0xba: {  	[tilespmem:s19], [sflag:$0x1] =	stream.indirect.gather [hbm4b:s3+s11], $0x1, s20, s11, $0xb8;
	[tilespmem:$0xD000] =	vst v63  }
0xbb: {  	s19 =	sadd.s32 $0xA080, s18;
	s20 =	sadd.s32 $0x3880, s18  }
0xbc: {  	[tilespmem:s19], [sflag:$0x1] =	stream.indirect.gather [hbm4b:s3+s11], $0x1, s20, s11, $0xb8;
	[tilespmem:$0xD000] =	vst v63  }
0xbd: {  	s19 =	sadd.s32 $0x6D00, s18;
	s20 =	sadd.s32 $0x500, s18  }
0xbe: {  	[tilespmem:s19], [sflag:$0x1] =	stream.indirect.gather [hbm4b:s3+s11], $0x1, s20, s11, $0xb8;
	[tilespmem:$0xD000] =	vst v63  }
0xbf: {  	s19 =	sadd.s32 $0xA100, s18;
	s20 =	sadd.s32 $0x3900, s18  }
0xc0: {  	[tilespmem:s19], [sflag:$0x1] =	stream.indirect.gather [hbm4b:s3+s11], $0x1, s20, s11, $0xb8;
	[tilespmem:$0xD000] =	vst v63  }
0xc1: {  	s19 =	sadd.s32 $0x6D80, s18;
	s20 =	sadd.s32 $0x580, s18  }
0xc2: {  	[tilespmem:s19], [sflag:$0x1] =	stream.indirect.gather [hbm4b:s3+s11], $0x1, s20, s11, $0xb8;
	[tilespmem:$0xD000] =	vst v63  }
0xc3: {  	s19 =	sadd.s32 $0xA180, s18;
	s20 =	sadd.s32 $0x3980, s18  }
0xc4: {  	[tilespmem:s19], [sflag:$0x1] =	stream.indirect.gather [hbm4b:s3+s11], $0x1, s20, s11, $0xb8;
	[tilespmem:$0xD000] =	vst v63  }
0xc5: {  	s19 =	sadd.s32 $0x6E00, s18;
	s20 =	sadd.s32 $0x600, s18  }
0xc6: {  	[tilespmem:s19], [sflag:$0x1] =	stream.indirect.gather [hbm4b:s3+s11], $0x1, s20, s11, $0xb8;
	[tilespmem:$0xD000] =	vst v63  }
0xc7: {  	s19 =	sadd.s32 $0xA200, s18;
	s18 =	sadd.s32 $0x3A00, s18  }
0xc8: {  	[tilespmem:s19], [sflag:$0x1] =	stream.indirect.gather [hbm4b:s3+s11], $0x1, s18, s11, $0xb8;
	[tilespmem:$0xD000] =	vst v63  }
0xc9: {  	_ =	swait.ge [sflag:s12], $0x80  }
0xca: {  	[sflag:s12] =	ssyncset.done $0x0  }
0xcb: {  	[sflag:s12] =	ssyncadd.s32 $0xFFFFFF80  }
0xcc: {  	_ =	swait.ge [sflag:s12], $0x80  }
0xcd: {  	[sflag:s12] =	ssyncset.done $0x0  }
0xce: {  	[sflag:s12] =	ssyncadd.s32 $0xFFFFFF80  }
0xcf: {  	_ =	swait.ge [sflag:s12], $0x80  }
0xd0: {  	[sflag:s12] =	ssyncset.done $0x0  }
0xd1: {  	[sflag:s12] =	ssyncadd.s32 $0xFFFFFF80  }
0xd2: {  	_ =	swait.ge [sflag:s12], $0x80  }
0xd3: {  	[sflag:s12] =	ssyncset.done $0x0  }
0xd4: {  	[sflag:s12] =	ssyncadd.s32 $0xFFFFFF80  }
0xd5: {  	_ =	swait.ge [sflag:s12], $0x80  }
0xd6: {  	[sflag:s12] =	ssyncset.done $0x0  }
0xd7: {  	[sflag:s12] =	ssyncadd.s32 $0xFFFFFF80  }
0xd8: {  	_ =	swait.ge [sflag:s12], $0x80  }
0xd9: {  	[sflag:s12] =	ssyncset.done $0x0  }
0xda: {  	[sflag:s12] =	ssyncadd.s32 $0xFFFFFF80  }
0xdb: {  	_ =	swait.ge [sflag:s12], $0x80  }
0xdc: {  	[sflag:s12] =	ssyncset.done $0x0  }
0xdd: {  	[sflag:s12] =	ssyncadd.s32 $0xFFFFFF80  }
0xde: {  	_ =	swait.ge [sflag:s12], $0x80  }
0xdf: {  	[sflag:s12] =	ssyncset.done $0x0  }
0xe0: {  	[sflag:s12] =	ssyncadd.s32 $0xFFFFFF80  }
0xe1: {  	_ =	swait.ge [sflag:s12], $0x80  }
0xe2: {  	[sflag:s12] =	ssyncset.done $0x0  }
0xe3: {  	[sflag:s12] =	ssyncadd.s32 $0xFFFFFF80  }
0xe4: {  	_ =	swait.ge [sflag:s12], $0x80  }
0xe5: {  	[sflag:s12] =	ssyncset.done $0x0  }
0xe6: {  	[sflag:s12] =	ssyncadd.s32 $0xFFFFFF80  }
0xe7: {  	_ =	swait.ge [sflag:s12], $0x80  }
0xe8: {  	[sflag:s12] =	ssyncset.done $0x0  }
0xe9: {  	[sflag:s12] =	ssyncadd.s32 $0xFFFFFF80  }
0xea: {  	_ =	swait.ge [sflag:s12], $0x80  }
0xeb: {  	[sflag:s12] =	ssyncset.done $0x0  }
0xec: {  	[sflag:s12] =	ssyncadd.s32 $0xFFFFFF80  }
0xed: {  	_ =	swait.ge [sflag:s12], $0x80  }
0xee: {  	[sflag:s12] =	ssyncset.done $0x0  }
0xef: {  	[sflag:s12] =	ssyncadd.s32 $0xFFFFFF80  }
0xf0: {  	_ =	swait.ge [sflag:s12], $0x80  }
0xf1: {  	[sflag:s12] =	ssyncset.done $0x0  }
0xf2: {  	[sflag:s12] =	ssyncadd.s32 $0xFFFFFF80  }
0xf3: {  	_ =	swait.ge [sflag:s12], $0x80  }
0xf4: {  	[sflag:s12] =	ssyncset.done $0x0  }
0xf5: {  	[sflag:s12] =	ssyncadd.s32 $0xFFFFFF80  }
0xf6: {  	_ =	swait.ge [sflag:s12], $0x80  }
0xf7: {  	[sflag:s12] =	ssyncset.done $0x0  }
0xf8: {  	[sflag:s12] =	ssyncadd.s32 $0xFFFFFF80  }
0xf9: {  	_ =	swait.ge [sflag:s12], $0x80  }
0xfa: {  	[sflag:s12] =	ssyncset.done $0x0  }
0xfb: {  	[sflag:s12] =	ssyncadd.s32 $0xFFFFFF80  }
0xfc: {  	_ =	swait.ge [sflag:s12], $0x80  }
0xfd: {  	[sflag:s12] =	ssyncset.done $0x0  }
0xfe: {  	[sflag:s12] =	ssyncadd.s32 $0xFFFFFF80  }
0xff: {  	_ =	swait.ge [sflag:s12], $0x80  }
0x100: {  	[sflag:s12] =	ssyncset.done $0x0  }
0x101: {  	[sflag:s12] =	ssyncadd.s32 $0xFFFFFF80  }
0x102: {  	_ =	swait.ge [sflag:s12], $0x80  }
0x103: {  	[sflag:s12] =	ssyncset.done $0x0  }
0x104: {  	[sflag:s12] =	ssyncadd.s32 $0xFFFFFF80  }
0x105: {  	_ =	swait.ge [sflag:s12], $0x80  }
0x106: {  	[sflag:s12] =	ssyncset.done $0x0  }
0x107: {  	[sflag:s12] =	ssyncadd.s32 $0xFFFFFF80  }
0x108: {  	_ =	swait.ge [sflag:s12], $0x80  }
0x109: {  	[sflag:s12] =	ssyncset.done $0x0  }
0x10a: {  	[sflag:s12] =	ssyncadd.s32 $0xFFFFFF80  }
0x10b: {  	_ =	swait.ge [sflag:s12], $0x80  }
0x10c: {  	[sflag:s12] =	ssyncset.done $0x0  }
0x10d: {  	[sflag:s12] =	ssyncadd.s32 $0xFFFFFF80  }
0x10e: {  	_ =	swait.ge [sflag:s12], $0x80  }
0x10f: {  	[sflag:s12] =	ssyncset.done $0x0  }
0x110: {  	[sflag:s12] =	ssyncadd.s32 $0xFFFFFF80  }
.Ltmp0:
0x111: {  	_ =	swait.ge [sflag:s12], $0x80;
	(pc) =	sbr.rel @p0 .LBB2_2-.Ltmp0, $4  }
0x112: {  	[sflag:s12] =	ssyncset.done $0x0  }
0x113: {  	[sflag:s12] =	ssyncadd.s32 $0xFFFFFF80  }
0x114: {  	_ =	swait.ge [sflag:s12], $0x80  }
0x115: {  	s18 =	sshra.s32 s17, $0x2;
	s19 =	smov.u32 s16;
	[sflag:s12] =	ssyncset.done $0x0  }
0x116: {  	s16 =	sadd.s32 $0x6800, s18;
	[sflag:s12] =	ssyncadd.s32 $0xFFFFFF80  }
0x117: {  	[tilespmem:s16], [sflag:$0x1] =	stream.indirect.gather [hbm4b:s3+s11], $0x1, s18, s11, $0xb8;
	[tilespmem:$0xD000] =	vst v63  }
0x118: {  	s31 =	sadd.s32 $0x9C00, s18;
	s17 =	sadd.s32 $0x3400, s18  }
0x119: {  	[tilespmem:s31], [sflag:$0x1] =	stream.indirect.gather [hbm4b:s3+s11], $0x1, s17, s11, $0xb8;
	[tilespmem:$0xD000] =	vst v63  }
0x11a: {  	s19 =	sadd.s32 $0x6880, s18;
	s20 =	sadd.s32 $0x80, s18  }
0x11b: {  	[tilespmem:s19], [sflag:$0x1] =	stream.indirect.gather [hbm4b:s3+s11], $0x1, s20, s11, $0xb8;
	[tilespmem:$0xD000] =	vst v63  }
0x11c: {  	s21 =	sadd.s32 $0x9C80, s18;
	s22 =	sadd.s32 $0x3480, s18  }
0x11d: {  	[tilespmem:s21], [sflag:$0x1] =	stream.indirect.gather [hbm4b:s3+s11], $0x1, s22, s11, $0xb8;
	[tilespmem:$0xD000] =	vst v63  }
0x11e: {  	s23 =	sadd.s32 $0x6900, s18;
	s24 =	sadd.s32 $0x100, s18  }
0x11f: {  	[tilespmem:s23], [sflag:$0x1] =	stream.indirect.gather [hbm4b:s3+s11], $0x1, s24, s11, $0xb8;
	[tilespmem:$0xD000] =	vst v63  }
0x120: {  	s25 =	sadd.s32 $0x9D00, s18;
	s26 =	sadd.s32 $0x3500, s18  }
0x121: {  	[tilespmem:s25], [sflag:$0x1] =	stream.indirect.gather [hbm4b:s3+s11], $0x1, s26, s11, $0xb8;
	[tilespmem:$0xD000] =	vst v63  }
0x122: {  	s28 =	sadd.s32 $0x6980, s18;
	s29 =	sadd.s32 $0x180, s18  }
0x123: {  	[tilespmem:s28], [sflag:$0x1] =	stream.indirect.gather [hbm4b:s3+s11], $0x1, s29, s11, $0xb8;
	[tilespmem:$0xD000] =	vst v63  }
0x124: {  	s30 =	sadd.s32 $0x9D80, s18;
	s31 =	sadd.s32 $0x3580, s18  }
0x125: {  	[tilespmem:s30], [sflag:$0x1] =	stream.indirect.gather [hbm4b:s3+s11], $0x1, s31, s11, $0xb8;
	[tilespmem:$0xD000] =	vst v63  }
0x126: {  	s19 =	sadd.s32 $0x6A00, s18;
	s20 =	sadd.s32 $0x200, s18  }
0x127: {  	[tilespmem:s19], [sflag:$0x1] =	stream.indirect.gather [hbm4b:s3+s11], $0x1, s20, s11, $0xb8;
	[tilespmem:$0xD000] =	vst v63  }
0x128: {  	s21 =	sadd.s32 $0x9E00, s18;
	s22 =	sadd.s32 $0x3600, s18  }
0x129: {  	[tilespmem:s21], [sflag:$0x1] =	stream.indirect.gather [hbm4b:s3+s11], $0x1, s22, s11, $0xb8;
	[tilespmem:$0xD000] =	vst v63  }
0x12a: {  	s23 =	sadd.s32 $0x6A80, s18;
	s24 =	sadd.s32 $0x280, s18  }
0x12b: {  	[tilespmem:s23], [sflag:$0x1] =	stream.indirect.gather [hbm4b:s3+s11], $0x1, s24, s11, $0xb8;
	[tilespmem:$0xD000] =	vst v63  }
0x12c: {  	s25 =	sadd.s32 $0x9E80, s18;
	s26 =	sadd.s32 $0x3680, s18  }
0x12d: {  	[tilespmem:s25], [sflag:$0x1] =	stream.indirect.gather [hbm4b:s3+s11], $0x1, s26, s11, $0xb8;
	[tilespmem:$0xD000] =	vst v63  }
0x12e: {  	s28 =	sadd.s32 $0x6B00, s18;
	s29 =	sadd.s32 $0x300, s18  }
0x12f: {  	[tilespmem:s28], [sflag:$0x1] =	stream.indirect.gather [hbm4b:s3+s11], $0x1, s29, s11, $0xb8;
	[tilespmem:$0xD000] =	vst v63  }
0x130: {  	s30 =	sadd.s32 $0x9F00, s18;
	s31 =	sadd.s32 $0x3700, s18  }
0x131: {  	[tilespmem:s30], [sflag:$0x1] =	stream.indirect.gather [hbm4b:s3+s11], $0x1, s31, s11, $0xb8;
	[tilespmem:$0xD000] =	vst v63  }
0x132: {  	s19 =	sadd.s32 $0x6B80, s18;
	s20 =	sadd.s32 $0x380, s18  }
0x133: {  	[tilespmem:s19], [sflag:$0x1] =	stream.indirect.gather [hbm4b:s3+s11], $0x1, s20, s11, $0xb8;
	[tilespmem:$0xD000] =	vst v63  }
0x134: {  	s21 =	sadd.s32 $0x9F80, s18;
	s22 =	sadd.s32 $0x3780, s18  }
0x135: {  	[tilespmem:s21], [sflag:$0x1] =	stream.indirect.gather [hbm4b:s3+s11], $0x1, s22, s11, $0xb8;
	[tilespmem:$0xD000] =	vst v63  }
0x136: {  	s23 =	sadd.s32 $0x6C00, s18;
	s24 =	sadd.s32 $0x400, s18  }
0x137: {  	[tilespmem:s23], [sflag:$0x1] =	stream.indirect.gather [hbm4b:s3+s11], $0x1, s24, s11, $0xb8;
	[tilespmem:$0xD000] =	vst v63  }
0x138: {  	s25 =	sadd.s32 $0xA000, s18;
	s26 =	sadd.s32 $0x3800, s18  }
0x139: {  	[tilespmem:s25], [sflag:$0x1] =	stream.indirect.gather [hbm4b:s3+s11], $0x1, s26, s11, $0xb8;
	[tilespmem:$0xD000] =	vst v63  }
0x13a: {  	s28 =	sadd.s32 $0x6C80, s18;
	s29 =	sadd.s32 $0x480, s18  }
0x13b: {  	[tilespmem:s28], [sflag:$0x1] =	stream.indirect.gather [hbm4b:s3+s11], $0x1, s29, s11, $0xb8;
	[tilespmem:$0xD000] =	vst v63  }
0x13c: {  	s30 =	sadd.s32 $0xA080, s18;
	s31 =	sadd.s32 $0x3880, s18  }
0x13d: {  	[tilespmem:s30], [sflag:$0x1] =	stream.indirect.gather [hbm4b:s3+s11], $0x1, s31, s11, $0xb8;
	[tilespmem:$0xD000] =	vst v63  }
0x13e: {  	s19 =	sadd.s32 $0x6D00, s18;
	s20 =	sadd.s32 $0x500, s18  }
0x13f: {  	[tilespmem:s19], [sflag:$0x1] =	stream.indirect.gather [hbm4b:s3+s11], $0x1, s20, s11, $0xb8;
	[tilespmem:$0xD000] =	vst v63  }
0x140: {  	s21 =	sadd.s32 $0xA100, s18;
	s22 =	sadd.s32 $0x3900, s18  }
0x141: {  	[tilespmem:s21], [sflag:$0x1] =	stream.indirect.gather [hbm4b:s3+s11], $0x1, s22, s11, $0xb8;
	[tilespmem:$0xD000] =	vst v63  }
0x142: {  	s23 =	sadd.s32 $0x6D80, s18;
	s24 =	sadd.s32 $0x580, s18  }
0x143: {  	[tilespmem:s23], [sflag:$0x1] =	stream.indirect.gather [hbm4b:s3+s11], $0x1, s24, s11, $0xb8;
	[tilespmem:$0xD000] =	vst v63  }
0x144: {  	s25 =	sadd.s32 $0xA180, s18;
	s26 =	sadd.s32 $0x3980, s18  }
0x145: {  	[tilespmem:s25], [sflag:$0x1] =	stream.indirect.gather [hbm4b:s3+s11], $0x1, s26, s11, $0xb8;
	[tilespmem:$0xD000] =	vst v63  }
0x146: {  	s28 =	sadd.s32 $0x6E00, s18;
	s29 =	sadd.s32 $0x600, s18  }
0x147: {  	[tilespmem:s28], [sflag:$0x1] =	stream.indirect.gather [hbm4b:s3+s11], $0x1, s29, s11, $0xb8;
	[tilespmem:$0xD000] =	vst v63  }
0x148: {  	s30 =	sadd.s32 $0xA200, s18;
	s31 =	sadd.s32 $0x3A00, s18  }
0x149: {  	[tilespmem:s30], [sflag:$0x1] =	stream.indirect.gather [hbm4b:s3+s11], $0x1, s31, s11, $0xb8;
	[tilespmem:$0xD000] =	vst v63  }
0x14a: {  	_ =	swait.ge [sflag:s12], $0x80  }
0x14b: {  	[sflag:s12] =	ssyncset.done $0x0  }
0x14c: {  	[sflag:s12] =	ssyncadd.s32 $0xFFFFFF80  }
0x14d: {  	_ =	swait.ge [sflag:s12], $0x80  }
0x14e: {  	[sflag:s12] =	ssyncset.done $0x0  }
0x14f: {  	[sflag:s12] =	ssyncadd.s32 $0xFFFFFF80  }
0x150: {  	_ =	swait.ge [sflag:s12], $0x80  }
0x151: {  	[sflag:s12] =	ssyncset.done $0x0  }
0x152: {  	[sflag:s12] =	ssyncadd.s32 $0xFFFFFF80  }
0x153: {  	_ =	swait.ge [sflag:s12], $0x80  }
0x154: {  	[sflag:s12] =	ssyncset.done $0x0  }
0x155: {  	[sflag:s12] =	ssyncadd.s32 $0xFFFFFF80  }
0x156: {  	_ =	swait.ge [sflag:s12], $0x80  }
0x157: {  	[sflag:s12] =	ssyncset.done $0x0  }
0x158: {  	[sflag:s12] =	ssyncadd.s32 $0xFFFFFF80  }
0x159: {  	_ =	swait.ge [sflag:s12], $0x80  }
0x15a: {  	[sflag:s12] =	ssyncset.done $0x0  }
0x15b: {  	[sflag:s12] =	ssyncadd.s32 $0xFFFFFF80  }
0x15c: {  	_ =	swait.ge [sflag:s12], $0x80  }
0x15d: {  	[sflag:s12] =	ssyncset.done $0x0  }
0x15e: {  	[sflag:s12] =	ssyncadd.s32 $0xFFFFFF80  }
0x15f: {  	_ =	swait.ge [sflag:s12], $0x80  }
0x160: {  	[sflag:s12] =	ssyncset.done $0x0  }
0x161: {  	[sflag:s12] =	ssyncadd.s32 $0xFFFFFF80  }
0x162: {  	_ =	swait.ge [sflag:s12], $0x80  }
0x163: {  	[sflag:s12] =	ssyncset.done $0x0  }
0x164: {  	[sflag:s12] =	ssyncadd.s32 $0xFFFFFF80  }
0x165: {  	_ =	swait.ge [sflag:s12], $0x80  }
0x166: {  	[sflag:s12] =	ssyncset.done $0x0  }
0x167: {  	[sflag:s12] =	ssyncadd.s32 $0xFFFFFF80  }
0x168: {  	_ =	swait.ge [sflag:s12], $0x80  }
0x169: {  	[sflag:s12] =	ssyncset.done $0x0  }
0x16a: {  	[sflag:s12] =	ssyncadd.s32 $0xFFFFFF80  }
0x16b: {  	_ =	swait.ge [sflag:s12], $0x80  }
0x16c: {  	[sflag:s12] =	ssyncset.done $0x0  }
0x16d: {  	[sflag:s12] =	ssyncadd.s32 $0xFFFFFF80  }
0x16e: {  	_ =	swait.ge [sflag:s12], $0x80  }
0x16f: {  	[sflag:s12] =	ssyncset.done $0x0  }
0x170: {  	[sflag:s12] =	ssyncadd.s32 $0xFFFFFF80  }
0x171: {  	_ =	swait.ge [sflag:s12], $0x80  }
0x172: {  	[sflag:s12] =	ssyncset.done $0x0  }
0x173: {  	[sflag:s12] =	ssyncadd.s32 $0xFFFFFF80  }
0x174: {  	_ =	swait.ge [sflag:s12], $0x80  }
0x175: {  	[sflag:s12] =	ssyncset.done $0x0  }
0x176: {  	[sflag:s12] =	ssyncadd.s32 $0xFFFFFF80  }
0x177: {  	_ =	swait.ge [sflag:s12], $0x80  }
0x178: {  	[sflag:s12] =	ssyncset.done $0x0  }
0x179: {  	[sflag:s12] =	ssyncadd.s32 $0xFFFFFF80  }
0x17a: {  	_ =	swait.ge [sflag:s12], $0x80  }
0x17b: {  	[sflag:s12] =	ssyncset.done $0x0  }
0x17c: {  	[sflag:s12] =	ssyncadd.s32 $0xFFFFFF80  }
0x17d: {  	_ =	swait.ge [sflag:s12], $0x80  }
0x17e: {  	[sflag:s12] =	ssyncset.done $0x0  }
0x17f: {  	[sflag:s12] =	ssyncadd.s32 $0xFFFFFF80  }
0x180: {  	_ =	swait.ge [sflag:s12], $0x80  }
0x181: {  	[sflag:s12] =	ssyncset.done $0x0  }
0x182: {  	[sflag:s12] =	ssyncadd.s32 $0xFFFFFF80  }
0x183: {  	_ =	swait.ge [sflag:s12], $0x80  }
0x184: {  	[sflag:s12] =	ssyncset.done $0x0  }
0x185: {  	[sflag:s12] =	ssyncadd.s32 $0xFFFFFF80  }
0x186: {  	_ =	swait.ge [sflag:s12], $0x80  }
0x187: {  	[sflag:s12] =	ssyncset.done $0x0  }
0x188: {  	[sflag:s12] =	ssyncadd.s32 $0xFFFFFF80  }
0x189: {  	_ =	swait.ge [sflag:s12], $0x80  }
0x18a: {  	[sflag:s12] =	ssyncset.done $0x0  }
0x18b: {  	[sflag:s12] =	ssyncadd.s32 $0xFFFFFF80  }
0x18c: {  	_ =	swait.ge [sflag:s12], $0x80  }
0x18d: {  	[sflag:s12] =	ssyncset.done $0x0  }
0x18e: {  	[sflag:s12] =	ssyncadd.s32 $0xFFFFFF80  }
0x18f: {  	_ =	swait.ge [sflag:s12], $0x80  }
0x190: {  	[sflag:s12] =	ssyncset.done $0x0  }
0x191: {  	[sflag:s12] =	ssyncadd.s32 $0xFFFFFF80  }
0x192: {  	_ =	swait.ge [sflag:s12], $0x80  }
0x193: {  	[sflag:s12] =	ssyncset.done $0x0  }
0x194: {  	[sflag:s12] =	ssyncadd.s32 $0xFFFFFF80  }
0x195: {  	_ =	swait.ge [sflag:s12], $0x80  }
0x196: {  	[sflag:s12] =	ssyncset.done $0x0  }
0x197: {  	[sflag:s12] =	ssyncadd.s32 $0xFFFFFF80  }
0x198: {  	[hbm4b:s5+s2] =	stream.linear.scatter [tilespmem:s13], [sflag:$0x2], $0x3400, $0x38;
	[tilespmem:$0xD000] =	vst v63  }
0x199: {  	s15 =	sadd.s32 $0x1, s15;
	_ =	swait.ge [sflag:s8], $0x3400  }
0x19a: {  	p0 =	sne.s32 s15, s7;
	[sflag:s8] =	ssyncset.done $0x0  }
.Ltmp1:
0x19b: {  	[sflag:s8] =	ssyncadd.s32 $0xFFFFCC00;
	(pc) =	sbr.rel @p0 .LBB2_1-.Ltmp1, $4  }
0x19c: {  	[hbm4b:s6+s2] =	stream.linear.scatter [tilespmem:s14], [sflag:$0x2], $0x3400, $0x38;
	[tilespmem:$0xD000] =	vst v63  }
0x19d: {  	_ =	swait.ge [sflag:s8], $0x3400  }
0x19e: {  	[sflag:s8] =	ssyncset.done $0x0  }
0x19f: {  	[sflag:s8] =	ssyncadd.s32 $0xFFFFCC00  }
0x1a0: {  	_ =	sfence.sel $0x180000  }
0x1a1: {  	[bflag:$0x0] =	sbarrier.arrive $0xFFFF  }
0x1a2: {  	p0 =	sne.s32 s0, $0x0;
	_ =	strace $0x90000047  }
0x1a3: {  	s0 =	sadd.s32 @!p0 $0x100000, s1;
	[bflag:$0x2] =	sbarrier.arrive $0xFFFF  }
0x1a4: {  	[sflag:s0] =	ssyncadd.tile.s32 @!p0 $0x1;
	_ =	shalt  }
.Lfunc_end2:
_tile_overlayer_lowered:
.L_overlay_start_2:
0x1a5: {  	(tag) =	ssettag $0x2  }
0x1a6: {  	s0 =	rddreg [dreg:$0x0];
	s2 =	stileid.u32  }
0x1a7: {  	s1 =	rddreg [dreg:$0x1];
	p0 =	sne.s32 s2, $0x0  }
0x1a8: {  	s3 =	rddreg [dreg:$0x2];
	[bflag:$0x3] =	sbarrier.arrive $0xFFFF;
	s2 =	simm.s32 @!p0 $0x1C02  }
0x1a9: {  	[timem:s3], [sflag:s2] =	dma.local @!p0 [hbm:s0], s1  }
0x1aa: {  	s0 =	simm.s32 @!p0 $0x2  }
0x1ab: {  	_ =	swait.ge @!p0 [sflag:s0], s1  }
0x1ac: {  	s1 =	ssub.s32 @!p0 $0x0, s1;
	[sflag:s0] =	ssyncset.done @!p0 $0x0  }
0x1ad: {  	[sflag:s0] =	ssyncadd.s32 @!p0 s1  }
0x1ae: {  	[bflag:$0x3] =	sbarrier.arrive $0xFFFF  }
0x1af: {  	_ =	shalt  }

// kernel: sparse-core-data-format-call.cloned.1.call-start
scs
called_computation_lowered:
.L_overlay_start_0:
0x0: {  	s2 =	sld [smem:$0x3FD9]  }
0x1: {  	s3 =	sld [smem:$0x3FFE];
	_ =	sdelay $0x1  }
0x2: {  	s1 =	srdreg.scid  }
0x3: {  	s0 =	sand.u32 $0x1, s1  }
0x4: {  	s15 =	sshll.u32 s0, $0xA;
	s2 =	sadd.s32 s3, s2  }
0x5: {  	s2 =	sadd.s32 s2, s15  }
0x6: {  	[smem:$0x3FC5] =	sst s2  }
0x7: {  	_ = 	snop  }
0x8: {  	s2 =	sld [smem:$0x3FD0];
	_ =	sdelay $0x2  }
0x9: {  	s16 =	simm.s32 $0xA;
	s4 =	simm.s32 $0x10  }
0xa: {  	[smem:s4], [sflag:s16] =	dma.local [hbm:s2], $0x1  }
0xb: {  	_ =	swait.eq [sflag:s16], $0x1  }
0xc: {  	[sflag:s16] =	ssyncset.done $0x0  }
0xd: {  	[sflag:s16] =	ssyncadd.s32 $0xFFFFFFFF  }
0xe: {  	s17 =	sld [smem:$0x10];
	(tm) =	ssettm $0x1  }
0xf: {  	s18 =	sld [smem:$0x3FFB];
	_ =	sdelay $0x3  }
0x10: {  	_ =	strace s18  }
0x11: {  	s3 =	sld [smem:$0x3FFC];
	_ =	sdelay $0x3  }
0x12: {  	_ =	strace s3  }
0x13: {  	s3 =	sld [smem:$0x3FFD];
	_ =	sdelay $0x3  }
0x14: {  	_ =	strace s3  }
0x15: {  	_ =	strace $0x8FFFFFFF  }
0x16: {  	s19 =	sld [smem:$0x3FDB];
	_ =	sdelay $0x1  }
0x17: {  	s20 =	simm.s32 $_scs_section_size  }
0x18: {  	s5 =	simm.s32 $_size__tile_overlayer_lowered;
	s6 =	simm.s32 $_tile_overlayer_lowered  }
0x19: {  	s23 =	simm.s32 $0x1BFF;
	s22 =	sshll.u32 s6, $0x1;
	s3 =	sadd.s32 s20, s19  }
0x1a: {  	s7 =	simm.s32 $0x0;
	s21 =	sshll.u32 s5, $0x1;
	s5 =	sadd.s32 s22, s3  }
0x1b: {  	[timem:s7], [sflag:s23] =	dma.local [hbm:s5], s21  }
0x1c: {  	_ =	swait.ge [sflag:s23], s21  }
0x1d: {  	s4 =	ssub.s32 $0x0, s21;
	[sflag:s23] =	ssyncset.done $0x0  }
0x1e: {  	[sflag:s23] =	ssyncadd.s32 s4;
	_ =	sdelay $0x1  }
0x1f: {  	s24 =	simm.s32 $0x1B8B  }
0x20: {  	_ =	swait.ge [sflag:s24], $0x1  }
0x21: {  	[sflag:s24] =	ssyncset.done $0x0  }
0x22: {  	s26 =	simm.s32 $0x1B8E;
	s25 =	sld [smem:$0x3FFE];
	[sflag:s24] =	ssyncadd.s32 $0xFFFFFFFF  }
0x23: {  	s27 =	simm.s32 $execute0_lowered;
	[smem:$0x3FD2] =	sst s26  }
0x24: {  	s5 =	sshll.u32 s27, $0x1;
	_ =	strace $0x80000049;
	[dreg:$0x1] =	wrdreg $0xFFFFFFFF  }
0x25: {  	s28 =	simm.s32 $_size_execute0_lowered;
	s3 =	sadd.s32 s3, s5;
	[dreg:$0x0] =	wrdreg $0x0  }
0x26: {  	s5 =	sshll.u32 s28, $0x1;
	[dreg:$0x2] =	wrdreg s3  }
0x27: {  	[dreg:$0x3] =	wrdreg s5  }
0x28: {  	[dreg:$0x4] =	wrdreg $0xC0  }
0x29: {  	_ =	task [dreg:s7], $0x5FFFF  }
0x2a: {  	[dreg:$0x1] =	wrdreg $0xFFFFFFFF  }
0x2b: {  	[dreg:$0x0] =	wrdreg $0x60  }
0x2c: {  	[dreg:$0x2] =	wrdreg s25  }
0x2d: {  	[dreg:$0x3] =	wrdreg s17  }
0x2e: {  	[dreg:$0x4] =	wrdreg $0x9  }
0x2f: {  	_ =	task.clear_ibuf [dreg:s7], $0x5FFFF;
	_ =	strace $0x90000049  }
0x30: {  	s29 =	simm.s32 $0x9;
	_ =	strace $0x8000004B  }
0x31: {  	_ =	swait.ge [sflag:s29], $0x1  }
0x32: {  	[sflag:s29] =	ssyncadd.s32 $0xFFFFFFFF  }
0x33: {  	_ =	strace $0x9000004B  }
0x34: {  	_ =	sfence  }
0x35: {  	s30 =	sld [smem:$0x0];
	_ =	sdelay $0x2  }
0x36: {  	s31 =	sshll.u32 s1, $0xD;
	s1 =	sshrl.u32 s1, $0x2  }
0x37: {  	s3 =	sand.u32 $0x4000, s31;
	s1 =	sadd.s32 s1, s30  }
0x38: {  	s0 =	sor.u32 s3, s0;
	s1 =	sshll.u32 s1, $0x11  }
0x39: {  	s0 =	sor.u32 s1, s0  }
0x3a: {  	s0 =	sadd.s32 $0x8F2B, s0  }
0x3b: {  	[sflag:s0] =	ssyncadd.remote.s32 $0x1  }
0x3c: {  	_ =	sfence.sel $0xFFFF  }
0x3d: {  	[dreg:$0x0] =	wrdreg $0xFFFFFFFF;
	(pc) =	sbr.abs _section_cstart, $3  }
0x3e: {  	[dreg:$0x1] =	wrdreg $0xFFFFFFFF  }
0x3f: {  	_ =	task.clear_ibuf [dreg:s7], $0x2FFFF;
	_ =	strace $0x9FFFFFFF  }
0x40: {  	(tm) =	ssettm $0x7FFFFFFF  }
0x41: {  	_ =	shalt  }
tec
execute0_lowered:
.L_overlay_start_1:
0x0: {  	(tag) =	ssettag $0x1  }
0x1: {  	s3 =	rddreg [dreg:$0x0]  }
0x2: {  	s2 =	rddreg [dreg:$0x1];
	s1 =	stileid.u32  }
0x3: {  	s4 =	srdreg.scid;
	s0 =	rddreg [dreg:$0x2];
	_ =	strace $0x8000004A  }
0x4: {  	s7 =	simm.s32 $0x2;
	s14 =	simm.s32 $0x0;
	p0 =	por $0x0, $0x0  }
0x5: {  	s9 =	simm.s32 $0xC3800;
	s5 =	sshll.u32 s1, $0x5;
	s4 =	sshll.u32 s4, $0x9  }
.Ltmp0:
0x6: {  	s13 =	simm.s32 $0x0;
	s4 =	sor.u32 s5, s4;
	(pc) =	sbr.rel .LBB1_1-.Ltmp0, $4  }
0x7: {  	s12 =	simm.s32 $0x0;
	s5 =	simm.s32 $0x1;
	s4 =	sand.u32 $0x380, s4  }
0x8: {  	s3 =	sadd.s32 $0x64B800, s3;
	[sflag:s5] =	ssyncpa.u1 $0x0;
	s8 =	ssub.s32 $0x18680, s4  }
0x9: {  	s6 =	sand.u32 $0x3, s1;
	[sflag:s7] =	ssyncpa.u1 $0x0;
	s7 =	sshrl.u32 s8, $0xA  }
0xa: {  	s11 =	smov.u32 s6;
	s10 =	smov.u32 s4;
	s8 =	sor.u32 $0x2, s7  }
.LBB1_5:
0xb: {  	s15 =	sadd.s32 $0x400, s10  }
0xc: {  	s13 =	sadd.s32 $0x4, s11;
	s17 =	smov.u32 s11;
	p2 =	sgt.s32 s15, $0x1869F  }
0xd: {  	s17 =	smov.u32 @p2 s13  }
0xe: {  	s15 =	smov.u32 @p2 s4;
	p2 =	sgt.s32 s17, $0x3  }
0xf: {  	s17 =	smov.u32 @p2 s6;
	p2 =	sne.s32 s12, s8  }
.Ltmp1:
0x10: {  	p1 =	slt.u32 s12, $0x2;
	(pc) =	sbr.rel @!p2 .LBB1_6-.Ltmp1, $4  }
0x11: {  	s16 =	simm.s32 @!p1 $0x2  }
0x12: {  	s14 =	smov.u32 s10;
	p0 =	por !p0, !p0;
	_ =	swait.ge @!p1 [sflag:s16], $0x2000  }
0x13: {  	s13 =	smov.u32 s11;
	[sflag:s16] =	ssyncset.done @!p1 $0x0;
	s10 =	smov.u32 s15  }
0x14: {  	s12 =	sadd.s32 $0x1, s12;
	[sflag:s16] =	ssyncadd.s32 @!p1 $0xFFFFE000;
	s11 =	smov.u32 s17  }
.LBB1_1:
0x15: {  	p1 =	sgt.u32 s12, s7  }
0x16: {  	s17 =	smov.u32 s11;
	s19 =	smov.u32 s10;
	p2 =	sgt.s32 @!p1 s11, $0x3  }
0x17: {  	s15 =	sand.u32 @!p1 $0x1FFFFFF, s10;
	s18 =	sshra.s32 @!p1 s11, $0x1F;
	p2 =	por !p2, p1  }
0x18: {  	s20 =	sshra.s32 @!p1 s10, $0x1F;
	s17 =	simm.s32 @p2 $0x3;
	p2 =	sgt.s32 @!p1 s10, $0x18620  }
0x19: {  	s16 =	smulhi.u32 @!p1 $0x14F8B59, s15;
	s18 =	sand.u32 @!p1 s18, s11;
	p2 =	por !p2, p1  }
0x1a: {  	s17 =	ssub.s32 @!p1 s17, s18;
	s18 =	sand.u32 @!p1 s20, s10;
	s19 =	simm.s32 @p2 $0x18620  }
0x1b: {  	s17 =	sadd.s32 @!p1 $0xFFFFFFFD, s17;
	s18 =	ssub.s32 @!p1 s19, s18  }
0x1c: {  	s16 =	sshrl.u32 @!p1 s16, $0x9;
	p2 =	sgt.s32 @!p1 s17, $0x0;
	s19 =	sadd.s32 @!p1 $0xFFFE79E0, s18  }
0x1d: {  	s17 =	sshll.u32 @!p1 s17, $0x6;
	s18 =	ssub.s32 @!p1 $0x186A0, s18;
	p3 =	sgt.s32 @!p1 s19, $0x7F  }
0x1e: {  	s17 =	ssub.s32 @!p1 $0x40, s17;
	p2 =	por !p2, p1;
	p3 =	por !p3, p1  }
0x1f: {  	s16 =	smul.u32 @!p1 $0x186A0, s16;
	s17 =	simm.s32 @!p2 $0x0;
	s18 =	simm.s32 @!p3 $0x0  }
0x20: {  	s19 =	sxor.u32 @!p1 $0xFFFFFFFF, s12;
	s17 =	smul.u32 @!p1 s18, s17  }
0x21: {  	s15 =	ssub.s32 @!p1 s15, s16;
	s18 =	sshll.u32 @!p1 s19, $0xD;
	s19 =	smul.u32 @!p1 $0x186A00, s11  }
0x22: {  	s15 =	sshll.u32 @!p1 s15, $0x4  }
0x23: {  	s18 =	sand.u32 @!p1 $0x2000, s18;
	s16 =	sand.u32 @!p1 $0x3FFFFFC0, s17;
	s17 =	sadd.s32 @!p1 s3, s19  }
0x24: {  	s19 =	simm.s32 @!p1 $0x80;
	s15 =	sadd.s32 @!p1 s15, s17;
	s17 =	simm.s32 @!p1 $0x40  }
0x25: {  	[tilespmem:s18], [sflag:$0x1] =	stream.strided.gather @!p1 [hbm4b:s15+s17], s16, s19, s17, $0x38;
	[tilespmem:$0x8080] =	vst v63  }
0x26: {  	p1 =	seq.s32 s12, $0x0  }
0x27: {  	p2 =	sge.u32 @!p1 s12, s8  }
0x28: {  	p1 =	por p1, p2  }
.Ltmp2:
0x29: {  	_ = 	snop;
	(pc) =	sbr.rel @p1 .LBB1_5-.Ltmp2, $1  }
0x2a: {  	_ =	sdelay $0x3  }
0x2b: {  	p1 =	sgt.s32 s13, $0x3;
	s15 =	smov.u32 s13  }
0x2c: {  	s16 =	sshra.s32 s13, $0x1F;
	s17 =	smov.u32 s14;
	s18 =	sshra.s32 s14, $0x1F  }
0x2d: {  	s15 =	simm.s32 @!p1 $0x3;
	s16 =	sand.u32 s16, s13;
	p1 =	sgt.s32 s14, $0x18620  }
0x2e: {  	s27 =	sand.u32 s18, s14;
	s15 =	ssub.s32 s15, s16;
	s17 =	simm.s32 @!p1 $0x18620  }
0x2f: {  	s15 =	sadd.s32 $0xFFFFFFFD, s15;
	s16 =	ssub.s32 s17, s27  }
0x30: {  	p1 =	sgt.s32 s15, $0x0;
	s17 =	sadd.s32 $0xFFFE79E0, s16;
	s15 =	sshll.u32 s15, $0x6  }
0x31: {  	s16 =	ssub.s32 $0x186A0, s16;
	p2 =	sgt.s32 s17, $0x7F;
	s15 =	ssub.s32 $0x40, s15  }
0x32: {  	s16 =	simm.s32 @p2 $0x0;
	s15 =	simm.s32 @p1 $0x0  }
0x33: {  	s15 =	smul.u32 s16, s15;
	_ =	sdelay $0x1  }
0x34: {  	s16 =	simm.s32 $0x1;
	s15 =	sand.u32 $0x3FFFFFC0, s15  }
0x35: {  	s16 =	simm.s32 @!p0 $0x0;
	_ =	swait.ge [sflag:s5], s15  }
0x36: {  	s28 =	sshll.u32 s16, $0xD;
	s15 =	ssub.s32 $0x0, s15;
	[sflag:s5] =	ssyncset.done $0x0  }
0x37: {  	s19 =	sor.u32 $0x20, s28;
	[sflag:s5] =	ssyncadd.s32 s15  }
0x38: {  	s29 =	smul.u32 $0x8100, s16;
	v3 =	vld [tilespmem:s19+$0x10]  }
0x39: {  	s30 =	sand.u32 $0x1, s12;
	v2 =	vld [tilespmem:s19+$0xFFFFFFF0]  }
0x3a: {  	s16 =	smul.u32 $0x8100, s30;
	s15 =	sshrl.u32 s29, $0x2;
	v0 =	vld [tilespmem:s19+$0x0]  }
0x3b: {  	s17 =	sor.u32 $0x4000, s15;
	v1 =	vld [tilespmem:s19+$0xFFFFFFE0]  }
0x3c: {  	s31 =	sshrl.u32 s16, $0x2;
	s16 =	sadd.s32 $0x0, s17  }
0x3d: {  	s18 =	simm.s32 $0x4;
	s15 =	sor.u32 $0x4000, s31;
	s19 =	sadd.s32 $0x40, s19;
	[tilespmem:s16+$0x1830 ss:$0x81] =	vst.msk $0xffff, v3  }
.LBB1_3:
0x3e: {  	v3 =	vld [tilespmem:s19+$0x10];
	p1 =	sne.s32 s18, $0x1FC;
	[tilespmem:s16+$0x810 ss:$0x81] =	vst.msk $0xffff, v2;
	s20 =	smov.u32 s18;
	s18 =	sadd.s32 $0x4, s18  }
.Ltmp3:
0x3f: {  	v2 =	vld [tilespmem:s19+$0xFFFFFFF0];
	[tilespmem:s16+$0x1020 ss:$0x81] =	vst.msk $0xffff, v0;
	(pc) =	sbr.rel @p1 .LBB1_3-.Ltmp3, $4  }
0x40: {  	v0 =	vld [tilespmem:s19+$0x0];
	[tilespmem:s16+$0x0 ss:$0x81] =	vst.msk $0xffff, v1  }
0x41: {  	s16 =	sshra.s32 s20, $0x2;
	v1 =	vld [tilespmem:s19+$0xFFFFFFE0]  }
0x42: {  	s16 =	sadd.s32 s16, s17  }
0x43: {  	s19 =	sadd.s32 $0x40, s19;
	[tilespmem:s16+$0x1830 ss:$0x81] =	vst.msk $0xffff, v3  }
0x44: {  	s17 =	sshll.u32 s14, $0x3  }
0x45: {  	s29 =	sand.u32 $0x7F, s14;
	s17 =	sand.u32 $0xFFFFFC00, s17  }
0x46: {  	s14 =	sor.u32 s29, s17;
	s17 =	smulhi.u32 $0xA79C7B17, s17  }
0x47: {  	s18 =	smulhi.u32 $0xA79C7B17, s14;
	_ =	sdelay $0x1  }
0x48: {  	s13 =	smul.u32 $0xC3800, s13;
	s17 =	sshrl.u32 s17, $0x10;
	s18 =	sshrl.u32 s18, $0x10  }
0x49: {  	s17 =	sand.u32 $0x3F, s17;
	s18 =	smul.u32 $0x18700, s18  }
0x4a: {  	s17 =	smul.u32 $0x30E0, s17  }
.Ltmp4:
0x4b: {  	s14 =	ssub.s32 s14, s18;
	(pc) =	sbr.rel .LBB1_5-.Ltmp4, $4  }
0x4c: {  	[tilespmem:s16+$0x810 ss:$0x81] =	vst.msk $0xffff, v2;
	s13 =	sadd.s32 s2, s13;
	s18 =	sand.u32 $0x7, s14  }
0x4d: {  	[tilespmem:s16+$0x1020 ss:$0x81] =	vst.msk $0xffff, v0;
	s13 =	sadd.s32 s17, s13;
	s14 =	sshrl.u32 s14, $0x3;
	s30 =	sshll.u32 s18, $0x12  }
0x4e: {  	[tilespmem:s16+$0x0 ss:$0x81] =	vst.msk $0xffff, v1;
	s13 =	sadd.s32 s14, s13;
	s31 =	sor.u32 $0x400, s30  }
0x4f: {  	[hbm4b:s13+s31] =	stream.strided.scatter [tilespmem:s15], [sflag:$0x2], $0x2000, s9, s31, $0x20;
	[tilespmem:$0x8080] =	vst v63  }
.LBB1_6:
0x50: {  	_ =	sfence.sel $0x180000  }
0x51: {  	s2 =	simm.s32 $0x1;
	[bflag:$0x0] =	sbarrier.arrive $0xFFFF  }
0x52: {  	s31 =	simm.s32 $0x2;
	[sflag:s2] =	ssyncpa.u1 $0x1  }
0x53: {  	[sflag:s31] =	ssyncpa.u1 $0x1  }
0x54: {  	p0 =	sne.s32 s1, $0x0;
	_ =	strace $0x9000004A  }
0x55: {  	s0 =	sadd.s32 @!p0 $0x100000, s0;
	[bflag:$0x2] =	sbarrier.arrive $0xFFFF  }
0x56: {  	[sflag:s0] =	ssyncadd.tile.s32 @!p0 $0x1;
	_ =	shalt  }
.Lfunc_end1:
_tile_overlayer_lowered:
.L_overlay_start_2:
0x57: {  	(tag) =	ssettag $0x2  }
0x58: {  	s0 =	rddreg [dreg:$0x0];
	s2 =	stileid.u32  }
0x59: {  	s1 =	rddreg [dreg:$0x1];
	p0 =	sne.s32 s2, $0x0  }
0x5a: {  	s3 =	rddreg [dreg:$0x2];
	[bflag:$0x3] =	sbarrier.arrive $0xFFFF;
	s2 =	simm.s32 @!p0 $0x1C01  }
0x5b: {  	[timem:s3], [sflag:s2] =	dma.local @!p0 [hbm:s0], s1  }
0x5c: {  	s0 =	simm.s32 @!p0 $0x1  }
0x5d: {  	_ =	swait.ge @!p0 [sflag:s0], s1  }
0x5e: {  	s1 =	ssub.s32 @!p0 $0x0, s1;
	[sflag:s0] =	ssyncset.done @!p0 $0x0  }
0x5f: {  	[sflag:s0] =	ssyncadd.s32 @!p0 s1  }
0x60: {  	[bflag:$0x3] =	sbarrier.arrive $0xFFFF  }
0x61: {  	_ =	shalt  }

</sc_bundles>
